<compile_context>
chip_gen: v7x
topology: tpu7x:2x2x1
jax: 0.10.2.dev20260603
libtpu: 0.0.44.dev20260713+nightly
codegen_flags: <defaults>
</compile_context>

<pallas_src>
import functools

import jax
import jax.numpy as jnp
from jax import lax
from jax.experimental import pallas as pl
from jax.experimental.pallas import tpu as pltpu
from jax.experimental.pallas import tpu_sc as plsc

N = 256
D = 256
E = 4096
EB = 2048
NBLK = E // EB
EPS = 1e-06
F32 = jnp.float32

NW = 32
B_PER_W = E // NW


def _tables_body(phr_ref, wrel_ref, wsub_ref, wobj_ref, tsub_ref, tobj_ref):
    phr = phr_ref[...]
    tsub_ref[:, :D] = jnp.dot(phr, wrel_ref[:D], preferred_element_type=F32)
    tsub_ref[:, D:] = jnp.dot(phr, wsub_ref[:D], preferred_element_type=F32)
    tobj_ref[:, :D] = jnp.dot(phr, wrel_ref[D:2 * D],
                              preferred_element_type=F32)
    tobj_ref[:, D:] = jnp.dot(phr, wobj_ref[:D], preferred_element_type=F32)


def _sc_gather(tsub_hbm, tobj_hbm, sub_hbm, obj_hbm, gsub_hbm, gobj_hbm,
               idx_v, rows_v, sem):
    wid = lax.axis_index("s") * 2 + lax.axis_index("c")
    base = wid * B_PER_W
    pltpu.sync_copy(sub_hbm.at[pl.ds(base, B_PER_W)], idx_v)
    pltpu.async_copy(tsub_hbm.at[idx_v], rows_v, sem).wait()
    pltpu.sync_copy(rows_v, gsub_hbm.at[pl.ds(base, B_PER_W)])
    pltpu.sync_copy(obj_hbm.at[pl.ds(base, B_PER_W)], idx_v)
    pltpu.async_copy(tobj_hbm.at[idx_v], rows_v, sem).wait()
    pltpu.sync_copy(rows_v, gobj_hbm.at[pl.ds(base, B_PER_W)])


def _edges_ctx_body(conn_all_ref, rel_ref, gsub_ref, gobj_ref, phr_ref,
                    wrel_ref, wsub_ref, wobj_ref, wphr_ref, brel_ref,
                    bsub_ref, bobj_ref, bphr_ref, t_ref, upd_ref, out_ref,
                    atte_s, upd_s, erow_s, ecol_s):
    i = pl.program_id(0)

    @pl.when(i == 0)
    def _select():
        t = t_ref[0, 0]
        sub_all = conn_all_ref[0, :]
        obj_all = conn_all_ref[1, :]
        iota_e = jax.lax.broadcasted_iota(jnp.int32, (E, N), 0)
        iota_o = jax.lax.broadcasted_iota(jnp.int32, (E, N), 1)
        subc = sub_all[:, None]
        objc = obj_all[:, None]
        rowval = jnp.where(subc == t, iota_e[:, 0:1], -1)
        colval = jnp.where(objc == t, iota_e[:, 0:1], -1)
        erow_s[0, :] = jnp.max(jnp.where(objc == iota_o, rowval, -1), axis=0)
        ecol_s[0, :] = jnp.max(jnp.where(subc == iota_o, colval, -1), axis=0)

    gsub = gsub_ref[...]
    gobj = gobj_ref[...]
    upd = (gsub[:, :D] + gobj[:, :D] + brel_ref[...][None, :]
           + jnp.dot(rel_ref[...], wrel_ref[2 * D:],
                     preferred_element_type=F32))
    upd_ref[...] = upd
    upd_s[pl.ds(i * EB, EB), :] = upd
    ts = gsub[:, D:] + bsub_ref[...][None, :] + jnp.dot(
        upd, wsub_ref[D:], preferred_element_type=F32)
    to = gobj[:, D:] + bobj_ref[...][None, :] + jnp.dot(
        upd, wobj_ref[D:], preferred_element_type=F32)
    ones_col = jnp.ones((D, 1), dtype=F32)
    atte_s[pl.ds(i * EB, EB), :] = jnp.dot(ts * to, ones_col,
                                           preferred_element_type=F32) * (
                                               1.0 / (D ** 0.5))

    @pl.when(i == NBLK - 1)
    def _context():
        t = t_ref[0, 0]
        iota_e = jax.lax.broadcasted_iota(jnp.int32, (E, N), 0)
        e_row = erow_s[0, :]
        e_col = ecol_s[0, :]
        sel_row = (iota_e == e_row[None, :]).astype(F32)
        sel_col = (iota_e == e_col[None, :]).astype(F32)
        atte_col = atte_s[...]
        a_row = jax.lax.dot_general(atte_col, sel_row,
                                    (((0,), (0,)), ((), ())),
                                    preferred_element_type=F32)[0]
        a_col = jax.lax.dot_general(atte_col, sel_col,
                                    (((0,), (0,)), ((), ())),
                                    preferred_element_type=F32)[0]
        mask_row = (e_row >= 0).astype(F32)
        mask_col = (e_col >= 0).astype(F32)

        def msm(vec, mask):
            mv = vec * mask
            ex = jnp.exp(mv - jnp.max(mv)) * mask
            return ex / (jnp.sum(ex) + EPS)

        w_row = msm(a_row, mask_row)
        w_col = msm(a_col, mask_col)
        weff = (jnp.dot(sel_row, w_row[:, None], preferred_element_type=F32)
                + jnp.dot(sel_col, w_col[:, None],
                          preferred_element_type=F32))
        ctx1 = jnp.dot((w_row + w_col)[None, :], phr_ref[...],
                       preferred_element_type=F32)
        ctx2 = jax.lax.dot_general(weff, upd_s[...], (((0,), (0,)), ((), ())),
                                   preferred_element_type=F32)
        delta = (jnp.dot(ctx1, wphr_ref[:D], preferred_element_type=F32)
                 + jnp.dot(ctx2, wphr_ref[D:], preferred_element_type=F32)
                 + bphr_ref[...][None, :])
        row_is_t = jax.lax.broadcasted_iota(jnp.int32, (N, 1), 0) == t
        out_ref[...] = phr_ref[...] + jnp.where(row_is_t, delta, 0.0)


@jax.jit
def _run(phrase_feat, rel_feat, rel_conn_mat, target_id, W_rel, b_rel, W_sub,
         b_sub, W_obj, b_obj, W_phr, b_phr):
    conn = rel_conn_mat.astype(jnp.int32)
    sub = conn[0]
    obj = conn[1]
    t = jnp.asarray(target_id, jnp.int32).reshape(1, 1)

    tsub, tobj = pl.pallas_call(
        _tables_body,
        out_shape=(jax.ShapeDtypeStruct((N, 2 * D), F32),
                   jax.ShapeDtypeStruct((N, 2 * D), F32)),
    )(phrase_feat, W_rel, W_sub, W_obj)

    mesh = plsc.VectorSubcoreMesh(core_axis_name="c", subcore_axis_name="s")
    gsub, gobj = pl.kernel(
        _sc_gather,
        mesh=mesh,
        out_type=[jax.ShapeDtypeStruct((E, 2 * D), F32),
                  jax.ShapeDtypeStruct((E, 2 * D), F32)],
        scratch_types=[
            pltpu.VMEM((B_PER_W,), jnp.int32),
            pltpu.VMEM((B_PER_W, 2 * D), F32),
            pltpu.SemaphoreType.DMA,
        ],
    )(tsub, tobj, sub, obj)

    full = lambda shape: pl.BlockSpec(shape, lambda i: tuple(0 for _ in shape))
    upd, out1 = pl.pallas_call(
        _edges_ctx_body,
        grid=(NBLK,),
        in_specs=[
            full((2, E)),
            pl.BlockSpec((EB, D), lambda i: (i, 0)),
            pl.BlockSpec((EB, 2 * D), lambda i: (i, 0)),
            pl.BlockSpec((EB, 2 * D), lambda i: (i, 0)),
            full((N, D)),
            full((3 * D, D)),
            full((2 * D, D)),
            full((2 * D, D)),
            full((2 * D, D)),
            full((D,)),
            full((D,)),
            full((D,)),
            full((D,)),
            full((1, 1)),
        ],
        out_specs=(pl.BlockSpec((EB, D), lambda i: (i, 0)), full((N, D))),
        out_shape=(jax.ShapeDtypeStruct((E, D), F32),
                   jax.ShapeDtypeStruct((N, D), F32)),
        scratch_shapes=[
            pltpu.VMEM((E, 1), F32),
            pltpu.VMEM((E, D), F32),
            pltpu.VMEM((1, N), jnp.int32),
            pltpu.VMEM((1, N), jnp.int32),
        ],
    )(conn, rel_feat, gsub, gobj, phrase_feat, W_rel, W_sub, W_obj, W_phr,
      b_rel, b_sub, b_obj, b_phr, t)
    return out1, upd


def kernel(phrase_feat, rel_feat, rel_conn_mat, target_id, W_rel, b_rel,
           W_sub, b_sub, W_obj, b_obj, W_phr, b_phr):
    return _run(phrase_feat, rel_feat, rel_conn_mat, target_id, W_rel, b_rel,
                W_sub, b_sub, W_obj, b_obj, W_phr, b_phr)

# --- scband reference (transcript-rebuilt; emitter-appended) ---
"""Pipeline reference for scband-language-scene-graph-v1-17712445129343 (READ-ONLY COPY).

The authoritative reference and input builder live on the scoring server;
editing this copy changes nothing except your own understanding.
"""

import jax, jax.numpy as jnp
import numpy as np

N = 256
D = 256
E = 4096
EPS = 1e-06


def masked_softmax(vec, mask, axis, eps=EPS):
    masked_vec = vec * mask
    max_vec = jnp.max(masked_vec, axis=axis, keepdims=True)
    exps = jnp.exp(masked_vec - max_vec)
    masked_exps = exps * mask
    masked_sums = jnp.sum(masked_exps, axis=axis, keepdims=True) + eps
    return masked_exps / masked_sums


def setup_inputs(seed: int = 0):
    key = jax.random.key(seed)
    ks = jax.random.split(key, 12)
    phrase_feat = jax.random.normal(ks[0], (N, D), dtype=jnp.float32)
    rel_feat = jax.random.normal(ks[1], (E, D), dtype=jnp.float32)
    rel_conn_mat = jax.random.randint(ks[2], (2, E), 0, N)
    target_id = 0
    W_rel = jax.random.normal(ks[3], (3 * D, D), dtype=jnp.float32) * 0.02
    b_rel = jnp.zeros((D,), dtype=jnp.float32)
    W_sub = jax.random.normal(ks[4], (2 * D, D), dtype=jnp.float32) * 0.02
    b_sub = jnp.zeros((D,), dtype=jnp.float32)
    W_obj = jax.random.normal(ks[5], (2 * D, D), dtype=jnp.float32) * 0.02
    b_obj = jnp.zeros((D,), dtype=jnp.float32)
    W_phr = jax.random.normal(ks[6], (2 * D, D), dtype=jnp.float32) * 0.02
    b_phr = jnp.zeros((D,), dtype=jnp.float32)
    return {"phrase_feat": phrase_feat, "rel_feat": rel_feat, "rel_conn_mat": rel_conn_mat, "target_id": target_id, "W_rel": W_rel, "b_rel": b_rel, "W_sub": W_sub, "b_sub": b_sub, "W_obj": W_obj, "b_obj": b_obj, "W_phr": W_phr, "b_phr": b_phr}


def reference(phrase_feat, rel_feat, rel_conn_mat, target_id, W_rel, b_rel, W_sub, b_sub, W_obj, b_obj, W_phr, b_phr):
    num_phrase = phrase_feat.shape[0]
    d = phrase_feat.shape[1]
    subject_nodes = rel_conn_mat[0]
    object_nodes = rel_conn_mat[1]
    # updated relation features: Linear(3d -> d) on [phr[sub], phr[obj], rel]
    updated_rel_feat = jnp.concatenate([phrase_feat[subject_nodes], phrase_feat[object_nodes], rel_feat], axis=1) @ W_rel + b_rel
    # dense connectivity matrix (scatter-overwrite)
    phr_conn_mat = jnp.zeros((num_phrase, num_phrase), dtype=jnp.float32).at[subject_nodes, object_nodes].set(1.0)
    trans_sub = jnp.concatenate([phrase_feat[subject_nodes], updated_rel_feat], axis=1) @ W_sub + b_sub
    trans_obj = jnp.concatenate([phrase_feat[object_nodes], updated_rel_feat], axis=1) @ W_obj + b_obj
    atte = jnp.sum(trans_sub * trans_obj, axis=1) / (trans_sub.shape[1] ** 0.5)
    atte_map = jnp.zeros((num_phrase, num_phrase), dtype=jnp.float32).at[subject_nodes, object_nodes].set(atte)
    atte_sub = masked_softmax(atte_map, phr_conn_mat, axis=1)
    atte_obj = masked_softmax(atte_map, phr_conn_mat, axis=0)
    feature_4_sub = jnp.broadcast_to(phrase_feat[None, :, :], (num_phrase, num_phrase, d))
    feature_4_obj = jnp.broadcast_to(phrase_feat[:, None, :], (num_phrase, num_phrase, d))
    rel_feature_mat = jnp.zeros((num_phrase, num_phrase, d), dtype=jnp.float32).at[subject_nodes, object_nodes].set(updated_rel_feat)
    feature_4_sub = jnp.concatenate([feature_4_sub, rel_feature_mat], axis=2)
    feature_4_obj = jnp.concatenate([feature_4_obj, rel_feature_mat], axis=2)
    phr_context_feat = jnp.sum(feature_4_sub * atte_sub[:, :, None], axis=1) + jnp.sum(feature_4_obj * atte_obj[:, :, None], axis=0)
    updated = phrase_feat + (phr_context_feat @ W_phr + b_phr)
    upd_mask = (jnp.arange(num_phrase) == target_id)[:, None]
    update_phrase_feat_unified = jnp.where(upd_mask, updated, phrase_feat)
    return (update_phrase_feat_unified, updated_rel_feat)

if __name__ == "__main__":
    import jax
    _d = setup_inputs()
    print(jax.jit(kernel)(*tuple(_d.values())))

</pallas_src>

<mosaic_0001>
#map = affine_map<(d0, d1) -> (0, 0)>
#map1 = affine_map<(d0, d1) -> (0)>
module attributes {stable_mosaic.version = 14 : i64} {
  func.func @_sc_gather(%arg0: i32, %arg1: i32, %arg2: memref<256x512xf32, #tpu.memory_space<hbm>>, %arg3: memref<256x512xf32, #tpu.memory_space<hbm>>, %arg4: memref<4096xi32, #tpu.memory_space<hbm>>, %arg5: memref<4096xi32, #tpu.memory_space<hbm>>, %arg6: memref<4096x512xf32, #tpu.memory_space<hbm>>, %arg7: memref<4096x512xf32, #tpu.memory_space<hbm>>, %arg8: memref<128xi32, #tpu.memory_space<vmem>>, %arg9: memref<128x512xf32, #tpu.memory_space<vmem>>, %arg10: memref<!tpu.dma_semaphore, #tpu.memory_space<semaphore_mem>>) attributes {dimension_semantics = [#tpu.dimension_semantics<core_parallel>, #tpu.dimension_semantics<subcore_parallel>], iteration_bounds = array<i64: 2, 16>, scalar_prefetch = 0 : i64, scratch_operands = 3 : i64, tpu.core_type = #tpu.core_type<sc_vector_subcore>, window_params = [{transform_indices = #map}, {transform_indices = #map}, {transform_indices = #map1}, {transform_indices = #map1}, {transform_indices = #map}, {transform_indices = #map}]} {
    %mul3A = arith.constant 2 : i32
    %mul3A_0 = arith.muli %arg1, %mul3A : i32
    %add3A = arith.addi %mul3A_0, %arg0 : i32
    %mul3A_1 = arith.constant 128 : i32
    %mul3A_2 = arith.muli %add3A, %mul3A_1 : i32
    "tpu.region"() ({
      %run_scoped3A = tpu.sem_alloc : memref<!tpu.dma_semaphore, #tpu.memory_space<semaphore_mem>>
      %dma_start3A_13 = tpu.memref_slice %arg4[%mul3A_2] : memref<4096xi32, #tpu.memory_space<hbm>> -> memref<128xi32, #tpu.memory_space<hbm>>
      %dma_start3A_14 = tpu.memref_slice %arg4[%mul3A_2] : memref<4096xi32, #tpu.memory_space<hbm>> -> memref<128xi32, #tpu.memory_space<hbm>>
      tpu.enqueue_dma source(%dma_start3A_14 : memref<128xi32, #tpu.memory_space<hbm>>) target(%arg8 : memref<128xi32, #tpu.memory_space<vmem>>) target_semaphore(%run_scoped3A : memref<!tpu.dma_semaphore, #tpu.memory_space<semaphore_mem>>)
      %dma_wait3A_15 = tpu.memref_slice %arg4[%mul3A_2] : memref<4096xi32, #tpu.memory_space<hbm>> -> memref<128xi32, #tpu.memory_space<hbm>>
      %dma_wait3A_16 = tpu.memref_slice %arg4[%mul3A_2] : memref<4096xi32, #tpu.memory_space<hbm>> -> memref<128xi32, #tpu.memory_space<hbm>>
      tpu.wait_dma2 semaphore(%run_scoped3A : memref<!tpu.dma_semaphore, #tpu.memory_space<semaphore_mem>>) src(%dma_wait3A_16 : memref<128xi32, #tpu.memory_space<hbm>>) dst(%arg8 : memref<128xi32, #tpu.memory_space<vmem>>)
      tpu.yield
    }) : () -> ()
    %dma_start3A = arith.constant 0 : i32
    %dma_start3A_3 = arith.constant 0 : i32
    %dma_start3A_4 = tpu.memref_slice %arg2[%dma_start3A, %dma_start3A_3] : memref<256x512xf32, #tpu.memory_space<hbm>> -> memref<256x512xf32, #tpu.memory_space<hbm>>
    tpu.enqueue_indirect_dma source(%dma_start3A_4 : memref<256x512xf32, #tpu.memory_space<hbm>>) target(%arg9 : memref<128x512xf32, #tpu.memory_space<vmem>>) offsets(%arg8 : memref<128xi32, #tpu.memory_space<vmem>>) semaphore(%arg10 : memref<!tpu.dma_semaphore, #tpu.memory_space<semaphore_mem>>)
    %dma_wait3A = arith.constant 0 : i32
    %dma_wait3A_5 = arith.constant 0 : i32
    %dma_wait3A_6 = tpu.memref_slice %arg2[%dma_wait3A, %dma_wait3A_5] : memref<256x512xf32, #tpu.memory_space<hbm>> -> memref<256x512xf32, #tpu.memory_space<hbm>>
    tpu.wait_indirect_dma semaphore(%arg10 : memref<!tpu.dma_semaphore, #tpu.memory_space<semaphore_mem>>) src(%dma_wait3A_6 : memref<256x512xf32, #tpu.memory_space<hbm>>) dst(%arg9 : memref<128x512xf32, #tpu.memory_space<vmem>>)
    "tpu.region"() ({
      %run_scoped3A = tpu.sem_alloc : memref<!tpu.dma_semaphore, #tpu.memory_space<semaphore_mem>>
      %dma_start3A_13 = arith.constant 0 : i32
      %dma_start3A_14 = tpu.memref_slice %arg6[%mul3A_2, %dma_start3A_13] : memref<4096x512xf32, #tpu.memory_space<hbm>> -> memref<128x512xf32, #tpu.memory_space<hbm>>
      %dma_start3A_15 = arith.constant 0 : i32
      %dma_start3A_16 = tpu.memref_slice %arg6[%mul3A_2, %dma_start3A_15] : memref<4096x512xf32, #tpu.memory_space<hbm>> -> memref<128x512xf32, #tpu.memory_space<hbm>>
      tpu.enqueue_dma source(%arg9 : memref<128x512xf32, #tpu.memory_space<vmem>>) target(%dma_start3A_16 : memref<128x512xf32, #tpu.memory_space<hbm>>) target_semaphore(%run_scoped3A : memref<!tpu.dma_semaphore, #tpu.memory_space<semaphore_mem>>)
      %dma_wait3A_17 = arith.constant 0 : i32
      %dma_wait3A_18 = tpu.memref_slice %arg6[%mul3A_2, %dma_wait3A_17] : memref<4096x512xf32, #tpu.memory_space<hbm>> -> memref<128x512xf32, #tpu.memory_space<hbm>>
      %dma_wait3A_19 = arith.constant 0 : i32
      %dma_wait3A_20 = tpu.memref_slice %arg6[%mul3A_2, %dma_wait3A_19] : memref<4096x512xf32, #tpu.memory_space<hbm>> -> memref<128x512xf32, #tpu.memory_space<hbm>>
      tpu.wait_dma2 semaphore(%run_scoped3A : memref<!tpu.dma_semaphore, #tpu.memory_space<semaphore_mem>>) src(%arg9 : memref<128x512xf32, #tpu.memory_space<vmem>>) dst(%dma_wait3A_20 : memref<128x512xf32, #tpu.memory_space<hbm>>)
      tpu.yield
    }) : () -> ()
    "tpu.region"() ({
      %run_scoped3A = tpu.sem_alloc : memref<!tpu.dma_semaphore, #tpu.memory_space<semaphore_mem>>
      %dma_start3A_13 = tpu.memref_slice %arg5[%mul3A_2] : memref<4096xi32, #tpu.memory_space<hbm>> -> memref<128xi32, #tpu.memory_space<hbm>>
      %dma_start3A_14 = tpu.memref_slice %arg5[%mul3A_2] : memref<4096xi32, #tpu.memory_space<hbm>> -> memref<128xi32, #tpu.memory_space<hbm>>
      tpu.enqueue_dma source(%dma_start3A_14 : memref<128xi32, #tpu.memory_space<hbm>>) target(%arg8 : memref<128xi32, #tpu.memory_space<vmem>>) target_semaphore(%run_scoped3A : memref<!tpu.dma_semaphore, #tpu.memory_space<semaphore_mem>>)
      %dma_wait3A_15 = tpu.memref_slice %arg5[%mul3A_2] : memref<4096xi32, #tpu.memory_space<hbm>> -> memref<128xi32, #tpu.memory_space<hbm>>
      %dma_wait3A_16 = tpu.memref_slice %arg5[%mul3A_2] : memref<4096xi32, #tpu.memory_space<hbm>> -> memref<128xi32, #tpu.memory_space<hbm>>
      tpu.wait_dma2 semaphore(%run_scoped3A : memref<!tpu.dma_semaphore, #tpu.memory_space<semaphore_mem>>) src(%dma_wait3A_16 : memref<128xi32, #tpu.memory_space<hbm>>) dst(%arg8 : memref<128xi32, #tpu.memory_space<vmem>>)
      tpu.yield
    }) : () -> ()
    %dma_start3A_7 = arith.constant 0 : i32
    %dma_start3A_8 = arith.constant 0 : i32
    %dma_start3A_9 = tpu.memref_slice %arg3[%dma_start3A_7, %dma_start3A_8] : memref<256x512xf32, #tpu.memory_space<hbm>> -> memref<256x512xf32, #tpu.memory_space<hbm>>
    tpu.enqueue_indirect_dma source(%dma_start3A_9 : memref<256x512xf32, #tpu.memory_space<hbm>>) target(%arg9 : memref<128x512xf32, #tpu.memory_space<vmem>>) offsets(%arg8 : memref<128xi32, #tpu.memory_space<vmem>>) semaphore(%arg10 : memref<!tpu.dma_semaphore, #tpu.memory_space<semaphore_mem>>)
    %dma_wait3A_10 = arith.constant 0 : i32
    %dma_wait3A_11 = arith.constant 0 : i32
    %dma_wait3A_12 = tpu.memref_slice %arg3[%dma_wait3A_10, %dma_wait3A_11] : memref<256x512xf32, #tpu.memory_space<hbm>> -> memref<256x512xf32, #tpu.memory_space<hbm>>
    tpu.wait_indirect_dma semaphore(%arg10 : memref<!tpu.dma_semaphore, #tpu.memory_space<semaphore_mem>>) src(%dma_wait3A_12 : memref<256x512xf32, #tpu.memory_space<hbm>>) dst(%arg9 : memref<128x512xf32, #tpu.memory_space<vmem>>)
    "tpu.region"() ({
      %run_scoped3A = tpu.sem_alloc : memref<!tpu.dma_semaphore, #tpu.memory_space<semaphore_mem>>
      %dma_start3A_13 = arith.constant 0 : i32
      %dma_start3A_14 = tpu.memref_slice %arg7[%mul3A_2, %dma_start3A_13] : memref<4096x512xf32, #tpu.memory_space<hbm>> -> memref<128x512xf32, #tpu.memory_space<hbm>>
      %dma_start3A_15 = arith.constant 0 : i32
      %dma_start3A_16 = tpu.memref_slice %arg7[%mul3A_2, %dma_start3A_15] : memref<4096x512xf32, #tpu.memory_space<hbm>> -> memref<128x512xf32, #tpu.memory_space<hbm>>
      tpu.enqueue_dma source(%arg9 : memref<128x512xf32, #tpu.memory_space<vmem>>) target(%dma_start3A_16 : memref<128x512xf32, #tpu.memory_space<hbm>>) target_semaphore(%run_scoped3A : memref<!tpu.dma_semaphore, #tpu.memory_space<semaphore_mem>>)
      %dma_wait3A_17 = arith.constant 0 : i32
      %dma_wait3A_18 = tpu.memref_slice %arg7[%mul3A_2, %dma_wait3A_17] : memref<4096x512xf32, #tpu.memory_space<hbm>> -> memref<128x512xf32, #tpu.memory_space<hbm>>
      %dma_wait3A_19 = arith.constant 0 : i32
      %dma_wait3A_20 = tpu.memref_slice %arg7[%mul3A_2, %dma_wait3A_19] : memref<4096x512xf32, #tpu.memory_space<hbm>> -> memref<128x512xf32, #tpu.memory_space<hbm>>
      tpu.wait_dma2 semaphore(%run_scoped3A : memref<!tpu.dma_semaphore, #tpu.memory_space<semaphore_mem>>) src(%arg9 : memref<128x512xf32, #tpu.memory_space<vmem>>) dst(%dma_wait3A_20 : memref<128x512xf32, #tpu.memory_space<hbm>>)
      tpu.yield
    }) : () -> ()
    return
  }
}

module attributes {stable_mosaic.version = 14 : i64} {
  func.func @_tables_body(%arg0: memref<256x256xf32, #tpu.memory_space<vmem>>, %arg1: memref<768x256xf32, #tpu.memory_space<vmem>>, %arg2: memref<512x256xf32, #tpu.memory_space<vmem>>, %arg3: memref<512x256xf32, #tpu.memory_space<vmem>>, %arg4: memref<256x512xf32, #tpu.memory_space<vmem>>, %arg5: memref<256x512xf32, #tpu.memory_space<vmem>>) attributes {dimension_semantics = [], scalar_prefetch = 0 : i64, scratch_operands = 0 : i64, tpu.core_type = #tpu.core_type<tc>} {
    %get3A = arith.constant 0 : index
    %get3A_0 = arith.constant 0 : index
    %get3A_1 = vector.load %arg0[%get3A, %get3A_0] : memref<256x256xf32, #tpu.memory_space<vmem>>, vector<256x256xf32>
    %get3A_2 = arith.constant 0 : index
    %get3A_3 = arith.constant 0 : index
    %get3A_4 = vector.load %arg1[%get3A_2, %get3A_3] : memref<768x256xf32, #tpu.memory_space<vmem>>, vector<256x256xf32>
    %dot_general3A = arith.constant dense<0.000000e+00> : vector<256x256xf32>
    %dot_general3A_5 = tpu.matmul %get3A_1, %get3A_4, %dot_general3A {dimension_numbers = #tpu.dot_dimension_numbers<[1], [0], [0], [1], [0, 0, 1, 1], [], []>, transpose_lhs_hint = false} : vector<256x256xf32>, vector<256x256xf32>, vector<256x256xf32> -> vector<256x256xf32>
    %swap3A = arith.constant 0 : index
    %swap3A_6 = arith.constant 0 : index
    %swap3A_7 = vector.load %arg4[%swap3A, %swap3A_6] : memref<256x512xf32, #tpu.memory_space<vmem>>, vector<256x256xf32>
    tpu.vector_store %arg4[%swap3A, %swap3A_6], %dot_general3A_5 {strides = array<i32>} : memref<256x512xf32, #tpu.memory_space<vmem>>, vector<256x256xf32>,
    %get3A_8 = arith.constant 0 : index
    %get3A_9 = arith.constant 0 : index
    %get3A_10 = vector.load %arg2[%get3A_8, %get3A_9] : memref<512x256xf32, #tpu.memory_space<vmem>>, vector<256x256xf32>
    %dot_general3A_11 = arith.constant dense<0.000000e+00> : vector<256x256xf32>
    %dot_general3A_12 = tpu.matmul %get3A_1, %get3A_10, %dot_general3A_11 {dimension_numbers = #tpu.dot_dimension_numbers<[1], [0], [0], [1], [0, 0, 1, 1], [], []>, transpose_lhs_hint = false} : vector<256x256xf32>, vector<256x256xf32>, vector<256x256xf32> -> vector<256x256xf32>
    %swap3A_13 = arith.constant 0 : index
    %swap3A_14 = arith.constant 256 : index
    %swap3A_15 = vector.load %arg4[%swap3A_13, %swap3A_14] : memref<256x512xf32, #tpu.memory_space<vmem>>, vector<256x256xf32>
    tpu.vector_store %arg4[%swap3A_13, %swap3A_14], %dot_general3A_12 {strides = array<i32>} : memref<256x512xf32, #tpu.memory_space<vmem>>, vector<256x256xf32>,
    %get3A_16 = arith.constant 256 : index
    %get3A_17 = arith.constant 0 : index
    %get3A_18 = vector.load %arg1[%get3A_16, %get3A_17] : memref<768x256xf32, #tpu.memory_space<vmem>>, vector<256x256xf32>
    %dot_general3A_19 = arith.constant dense<0.000000e+00> : vector<256x256xf32>
    %dot_general3A_20 = tpu.matmul %get3A_1, %get3A_18, %dot_general3A_19 {dimension_numbers = #tpu.dot_dimension_numbers<[1], [0], [0], [1], [0, 0, 1, 1], [], []>, transpose_lhs_hint = false} : vector<256x256xf32>, vector<256x256xf32>, vector<256x256xf32> -> vector<256x256xf32>
    %swap3A_21 = arith.constant 0 : index
    %swap3A_22 = arith.constant 0 : index
    %swap3A_23 = vector.load %arg5[%swap3A_21, %swap3A_22] : memref<256x512xf32, #tpu.memory_space<vmem>>, vector<256x256xf32>
    tpu.vector_store %arg5[%swap3A_21, %swap3A_22], %dot_general3A_20 {strides = array<i32>} : memref<256x512xf32, #tpu.memory_space<vmem>>, vector<256x256xf32>,
    %get3A_24 = arith.constant 0 : index
    %get3A_25 = arith.constant 0 : index
    %get3A_26 = vector.load %arg3[%get3A_24, %get3A_25] : memref<512x256xf32, #tpu.memory_space<vmem>>, vector<256x256xf32>
    %dot_general3A_27 = arith.constant dense<0.000000e+00> : vector<256x256xf32>
    %dot_general3A_28 = tpu.matmul %get3A_1, %get3A_26, %dot_general3A_27 {dimension_numbers = #tpu.dot_dimension_numbers<[1], [0], [0], [1], [0, 0, 1, 1], [], []>, transpose_lhs_hint = false} : vector<256x256xf32>, vector<256x256xf32>, vector<256x256xf32> -> vector<256x256xf32>
    %swap3A_29 = arith.constant 0 : index
    %swap3A_30 = arith.constant 256 : index
    %swap3A_31 = vector.load %arg5[%swap3A_29, %swap3A_30] : memref<256x512xf32, #tpu.memory_space<vmem>>, vector<256x256xf32>
    tpu.vector_store %arg5[%swap3A_29, %swap3A_30], %dot_general3A_28 {strides = array<i32>} : memref<256x512xf32, #tpu.memory_space<vmem>>, vector<256x256xf32>,
    return
  }
}

module attributes {stable_mosaic.version = 14 : i64} {
  func.func @_edges_ctx_body(%arg0: i32, %arg1: memref<2x4096xi32, #tpu.memory_space<vmem>>, %arg2: memref<2048x256xf32, #tpu.memory_space<vmem>>, %arg3: memref<2048x512xf32, #tpu.memory_space<vmem>>, %arg4: memref<2048x512xf32, #tpu.memory_space<vmem>>, %arg5: memref<256x256xf32, #tpu.memory_space<vmem>>, %arg6: memref<768x256xf32, #tpu.memory_space<vmem>>, %arg7: memref<512x256xf32, #tpu.memory_space<vmem>>, %arg8: memref<512x256xf32, #tpu.memory_space<vmem>>, %arg9: memref<512x256xf32, #tpu.memory_space<vmem>>, %arg10: memref<256xf32, #tpu.memory_space<vmem>>, %arg11: memref<256xf32, #tpu.memory_space<vmem>>, %arg12: memref<256xf32, #tpu.memory_space<vmem>>, %arg13: memref<256xf32, #tpu.memory_space<vmem>>, %arg14: memref<1x1xi32, #tpu.memory_space<vmem>>, %arg15: memref<2048x256xf32, #tpu.memory_space<vmem>>, %arg16: memref<256x256xf32, #tpu.memory_space<vmem>>, %arg17: memref<4096x1xf32, #tpu.memory_space<vmem>>, %arg18: memref<4096x256xf32, #tpu.memory_space<vmem>>, %arg19: memref<1x256xi32, #tpu.memory_space<vmem>>, %arg20: memref<1x256xi32, #tpu.memory_space<vmem>>) attributes {dimension_semantics = [#tpu.dimension_semantics<arbitrary>], iteration_bounds = array<i64: 2>, scalar_prefetch = 0 : i64, scratch_operands = 4 : i64, tpu.core_type = #tpu.core_type<tc>, window_params = [{pipeline_mode = #tpu.pipeline_mode<synchronous>, transform_indices = @transform_0, window_bounds = array<i64: 2, 4096>}, {transform_indices = @transform_1, window_bounds = array<i64: 2048, 256>}, {transform_indices = @transform_2, window_bounds = array<i64: 2048, 512>}, {transform_indices = @transform_3, window_bounds = array<i64: 2048, 512>}, {pipeline_mode = #tpu.pipeline_mode<synchronous>, transform_indices = @transform_4, window_bounds = array<i64: 256, 256>}, {pipeline_mode = #tpu.pipeline_mode<synchronous>, transform_indices = @transform_5, window_bounds = array<i64: 768, 256>}, {pipeline_mode = #tpu.pipeline_mode<synchronous>, transform_indices = @transform_6, window_bounds = array<i64: 512, 256>}, {pipeline_mode = #tpu.pipeline_mode<synchronous>, transform_indices = @transform_7, window_bounds = array<i64: 512, 256>}, {pipeline_mode = #tpu.pipeline_mode<synchronous>, transform_indices = @transform_8, window_bounds = array<i64: 512, 256>}, {pipeline_mode = #tpu.pipeline_mode<synchronous>, transform_indices = @transform_9, window_bounds = array<i64: 256>}, {pipeline_mode = #tpu.pipeline_mode<synchronous>, transform_indices = @transform_10, window_bounds = array<i64: 256>}, {pipeline_mode = #tpu.pipeline_mode<synchronous>, transform_indices = @transform_11, window_bounds = array<i64: 256>}, {pipeline_mode = #tpu.pipeline_mode<synchronous>, transform_indices = @transform_12, window_bounds = array<i64: 256>}, {pipeline_mode = #tpu.pipeline_mode<synchronous>, transform_indices = @transform_13, window_bounds = array<i64: 1, 1>}, {transform_indices = @transform_14, window_bounds = array<i64: 2048, 256>}, {pipeline_mode = #tpu.pipeline_mode<synchronous>, transform_indices = @transform_15, window_bounds = array<i64: 256, 256>}]} {
    %eq3A = arith.constant 0 : i32
    %eq3A_0 = arith.cmpi eq, %arg0, %eq3A : i32
    %convert_element_type3A = arith.extui %eq3A_0 : i1 to i32
    %cond3A = arith.constant 0 : i32
    %cond3A_1 = arith.cmpi ne, %convert_element_type3A, %cond3A : i32
    scf.if %cond3A_1 {
      %get3A_68 = arith.constant 0 : index
      %get3A_69 = arith.constant 0 : index
      %get3A_70 = vector.load %arg14[%get3A_68, %get3A_69] : memref<1x1xi32, #tpu.memory_space<vmem>>, vector<1x1xi32>
      %get3A_71 = vector.extract %get3A_70[0, 0] : i32 from vector<1x1xi32>
      %get3A_72 = arith.constant 0 : index
      %get3A_73 = arith.constant 0 : index
      %get3A_74 = vector.load %arg1[%get3A_72, %get3A_73] : memref<2x4096xi32, #tpu.memory_space<vmem>>, vector<1x4096xi32>
      %get3A_75 = vector.shape_cast %get3A_74 : vector<1x4096xi32> to vector<4096xi32>
      %get3A_76 = arith.constant 1 : index
      %get3A_77 = arith.constant 0 : index
      %get3A_78 = vector.load %arg1[%get3A_76, %get3A_77] : memref<2x4096xi32, #tpu.memory_space<vmem>>, vector<1x4096xi32>
      %get3A_79 = vector.shape_cast %get3A_78 : vector<1x4096xi32> to vector<4096xi32>
      %iota3A = tpu.iota {dimensions = array<i32: 0>} : vector<4096x256xi32>
      %iota3A_80 = tpu.iota {dimensions = array<i32: 1>} : vector<4096x256xi32>
      %broadcast_in_dim3A_81 = vector.shape_cast %get3A_75 : vector<4096xi32> to vector<4096x1xi32>
      %broadcast_in_dim3A_82 = vector.shape_cast %get3A_79 : vector<4096xi32> to vector<4096x1xi32>
      %eq3A_83 = vector.broadcast %get3A_71 : i32 to vector<4096x1xi32>
      %eq3A_84 = arith.cmpi eq, %broadcast_in_dim3A_81, %eq3A_83 : vector<4096x1xi32>
      %slice3A_85 = vector.extract_strided_slice %iota3A {offsets = [0, 0], sizes = [4096, 1], strides = [1, 1]} : vector<4096x256xi32> to vector<4096x1xi32>
      %jit3A = arith.constant -1 : i32
      %broadcast_in_dim3A_86 = vector.broadcast %jit3A : i32 to vector<4096x1xi32>
      %select_n3A = arith.select %eq3A_84, %slice3A_85, %broadcast_in_dim3A_86 : vector<4096x1xi1>, vector<4096x1xi32>
      %eq3A_87 = vector.broadcast %get3A_71 : i32 to vector<4096x1xi32>
      %eq3A_88 = arith.cmpi eq, %broadcast_in_dim3A_82, %eq3A_87 : vector<4096x1xi32>
      %slice3A_89 = vector.extract_strided_slice %iota3A {offsets = [0, 0], sizes = [4096, 1], strides = [1, 1]} : vector<4096x256xi32> to vector<4096x1xi32>
      %jit3A_90 = arith.constant -1 : i32
      %broadcast_in_dim3A_91 = vector.broadcast %jit3A_90 : i32 to vector<4096x1xi32>
      %select_n3A_92 = arith.select %eq3A_88, %slice3A_89, %broadcast_in_dim3A_91 : vector<4096x1xi1>, vector<4096x1xi32>
      %eq3A_93 = vector.broadcast %broadcast_in_dim3A_82 : vector<4096x1xi32> to vector<4096x256xi32>
      %eq3A_94 = arith.cmpi eq, %eq3A_93, %iota3A_80 : vector<4096x256xi32>
      %jit3A_95 = arith.constant -1 : i32
      %broadcast_in_dim3A_96 = vector.shape_cast %select_n3A : vector<4096x1xi32> to vector<4096x1xi32>
      %broadcast_in_dim3A_97 = vector.broadcast %broadcast_in_dim3A_96 : vector<4096x1xi32> to vector<4096x256xi32>
      %broadcast_in_dim3A_98 = vector.broadcast %jit3A_95 : i32 to vector<4096x256xi32>
      %select_n3A_99 = arith.select %eq3A_94, %broadcast_in_dim3A_97, %broadcast_in_dim3A_98 : vector<4096x256xi1>, vector<4096x256xi32>
      %reduce_max3A = arith.constant dense<-2147483648> : vector<256xi32>
      %reduce_max3A_100 = vector.multi_reduction <maxsi>, %select_n3A_99, %reduce_max3A [0] : vector<4096x256xi32> to vector<256xi32>
      %swap3A_101 = arith.constant 0 : index
      %swap3A_102 = arith.constant 0 : index
      %swap3A_103 = vector.load %arg19[%swap3A_101, %swap3A_102] : memref<1x256xi32, #tpu.memory_space<vmem>>, vector<1x256xi32>
      %swap3A_104 = vector.shape_cast %swap3A_103 : vector<1x256xi32> to vector<256xi32>
      %swap3A_105 = vector.shape_cast %reduce_max3A_100 : vector<256xi32> to vector<1x256xi32>
      tpu.vector_store %arg19[%swap3A_101, %swap3A_102], %swap3A_105 {strides = array<i32>} : memref<1x256xi32, #tpu.memory_space<vmem>>, vector<1x256xi32>,
      %eq3A_106 = vector.broadcast %broadcast_in_dim3A_81 : vector<4096x1xi32> to vector<4096x256xi32>
      %eq3A_107 = arith.cmpi eq, %eq3A_106, %iota3A_80 : vector<4096x256xi32>
      %jit3A_108 = arith.constant -1 : i32
      %broadcast_in_dim3A_109 = vector.shape_cast %select_n3A_92 : vector<4096x1xi32> to vector<4096x1xi32>
      %broadcast_in_dim3A_110 = vector.broadcast %broadcast_in_dim3A_109 : vector<4096x1xi32> to vector<4096x256xi32>
      %broadcast_in_dim3A_111 = vector.broadcast %jit3A_108 : i32 to vector<4096x256xi32>
      %select_n3A_112 = arith.select %eq3A_107, %broadcast_in_dim3A_110, %broadcast_in_dim3A_111 : vector<4096x256xi1>, vector<4096x256xi32>
      %reduce_max3A_113 = arith.constant dense<-2147483648> : vector<256xi32>
      %reduce_max3A_114 = vector.multi_reduction <maxsi>, %select_n3A_112, %reduce_max3A_113 [0] : vector<4096x256xi32> to vector<256xi32>
      %swap3A_115 = arith.constant 0 : index
      %swap3A_116 = arith.constant 0 : index
      %swap3A_117 = vector.load %arg20[%swap3A_115, %swap3A_116] : memref<1x256xi32, #tpu.memory_space<vmem>>, vector<1x256xi32>
      %swap3A_118 = vector.shape_cast %swap3A_117 : vector<1x256xi32> to vector<256xi32>
      %swap3A_119 = vector.shape_cast %reduce_max3A_114 : vector<256xi32> to vector<1x256xi32>
      tpu.vector_store %arg20[%swap3A_115, %swap3A_116], %swap3A_119 {strides = array<i32>} : memref<1x256xi32, #tpu.memory_space<vmem>>, vector<1x256xi32>,
    } else {
    }
    %get3A = arith.constant 0 : index
    %get3A_2 = arith.constant 0 : index
    %get3A_3 = vector.load %arg3[%get3A, %get3A_2] : memref<2048x512xf32, #tpu.memory_space<vmem>>, vector<2048x512xf32>
    %get3A_4 = arith.constant 0 : index
    %get3A_5 = arith.constant 0 : index
    %get3A_6 = vector.load %arg4[%get3A_4, %get3A_5] : memref<2048x512xf32, #tpu.memory_space<vmem>>, vector<2048x512xf32>
    %slice3A = vector.extract_strided_slice %get3A_3 {offsets = [0, 0], sizes = [2048, 256], strides = [1, 1]} : vector<2048x512xf32> to vector<2048x256xf32>
    %slice3A_7 = vector.extract_strided_slice %get3A_6 {offsets = [0, 0], sizes = [2048, 256], strides = [1, 1]} : vector<2048x512xf32> to vector<2048x256xf32>
    %add3A = arith.addf %slice3A, %slice3A_7 : vector<2048x256xf32>
    %get3A_8 = arith.constant 0 : index
    %get3A_9 = vector.load %arg10[%get3A_8] : memref<256xf32, #tpu.memory_space<vmem>>, vector<256xf32>
    %broadcast_in_dim3A = vector.shape_cast %get3A_9 : vector<256xf32> to vector<1x256xf32>
    %add3A_10 = vector.broadcast %broadcast_in_dim3A : vector<1x256xf32> to vector<2048x256xf32>
    %add3A_11 = arith.addf %add3A, %add3A_10 : vector<2048x256xf32>
    %get3A_12 = arith.constant 0 : index
    %get3A_13 = arith.constant 0 : index
    %get3A_14 = vector.load %arg2[%get3A_12, %get3A_13] : memref<2048x256xf32, #tpu.memory_space<vmem>>, vector<2048x256xf32>
    %get3A_15 = arith.constant 512 : index
    %get3A_16 = arith.constant 0 : index
    %get3A_17 = vector.load %arg6[%get3A_15, %get3A_16] : memref<768x256xf32, #tpu.memory_space<vmem>>, vector<256x256xf32>
    %dot_general3A = arith.constant dense<0.000000e+00> : vector<2048x256xf32>
    %dot_general3A_18 = tpu.matmul %get3A_14, %get3A_17, %dot_general3A {dimension_numbers = #tpu.dot_dimension_numbers<[1], [0], [0], [1], [0, 0, 1, 1], [], []>, transpose_lhs_hint = false} : vector<2048x256xf32>, vector<256x256xf32>, vector<2048x256xf32> -> vector<2048x256xf32>
    %add3A_19 = arith.addf %add3A_11, %dot_general3A_18 : vector<2048x256xf32>
    %swap3A = arith.constant 0 : index
    %swap3A_20 = arith.constant 0 : index
    %swap3A_21 = vector.load %arg15[%swap3A, %swap3A_20] : memref<2048x256xf32, #tpu.memory_space<vmem>>, vector<2048x256xf32>
    tpu.vector_store %arg15[%swap3A, %swap3A_20], %add3A_19 {strides = array<i32>} : memref<2048x256xf32, #tpu.memory_space<vmem>>, vector<2048x256xf32>,
    %mul3A = arith.constant 2048 : i32
    %mul3A_22 = arith.muli %arg0, %mul3A : i32
    %swap3A_23 = arith.index_cast %mul3A_22 : i32 to index
    %swap3A_24 = arith.constant 0 : index
    %swap3A_25 = vector.load %arg18[%swap3A_23, %swap3A_24] : memref<4096x256xf32, #tpu.memory_space<vmem>>, vector<2048x256xf32>
    tpu.vector_store %arg18[%swap3A_23, %swap3A_24], %add3A_19 {strides = array<i32>} : memref<4096x256xf32, #tpu.memory_space<vmem>>, vector<2048x256xf32>,
    %slice3A_26 = vector.extract_strided_slice %get3A_3 {offsets = [0, 256], sizes = [2048, 256], strides = [1, 1]} : vector<2048x512xf32> to vector<2048x256xf32>
    %get3A_27 = arith.constant 0 : index
    %get3A_28 = vector.load %arg11[%get3A_27] : memref<256xf32, #tpu.memory_space<vmem>>, vector<256xf32>
    %broadcast_in_dim3A_29 = vector.shape_cast %get3A_28 : vector<256xf32> to vector<1x256xf32>
    %add3A_30 = vector.broadcast %broadcast_in_dim3A_29 : vector<1x256xf32> to vector<2048x256xf32>
    %add3A_31 = arith.addf %slice3A_26, %add3A_30 : vector<2048x256xf32>
    %get3A_32 = arith.constant 256 : index
    %get3A_33 = arith.constant 0 : index
    %get3A_34 = vector.load %arg7[%get3A_32, %get3A_33] : memref<512x256xf32, #tpu.memory_space<vmem>>, vector<256x256xf32>
    %dot_general3A_35 = arith.constant dense<0.000000e+00> : vector<2048x256xf32>
    %dot_general3A_36 = tpu.matmul %add3A_19, %get3A_34, %dot_general3A_35 {dimension_numbers = #tpu.dot_dimension_numbers<[1], [0], [0], [1], [0, 0, 1, 1], [], []>, transpose_lhs_hint = false} : vector<2048x256xf32>, vector<256x256xf32>, vector<2048x256xf32> -> vector<2048x256xf32>
    %add3A_37 = arith.addf %add3A_31, %dot_general3A_36 : vector<2048x256xf32>
    %slice3A_38 = vector.extract_strided_slice %get3A_6 {offsets = [0, 256], sizes = [2048, 256], strides = [1, 1]} : vector<2048x512xf32> to vector<2048x256xf32>
    %get3A_39 = arith.constant 0 : index
    %get3A_40 = vector.load %arg12[%get3A_39] : memref<256xf32, #tpu.memory_space<vmem>>, vector<256xf32>
    %broadcast_in_dim3A_41 = vector.shape_cast %get3A_40 : vector<256xf32> to vector<1x256xf32>
    %add3A_42 = vector.broadcast %broadcast_in_dim3A_41 : vector<1x256xf32> to vector<2048x256xf32>
    %add3A_43 = arith.addf %slice3A_38, %add3A_42 : vector<2048x256xf32>
    %get3A_44 = arith.constant 256 : index
    %get3A_45 = arith.constant 0 : index
    %get3A_46 = vector.load %arg8[%get3A_44, %get3A_45] : memref<512x256xf32, #tpu.memory_space<vmem>>, vector<256x256xf32>
    %dot_general3A_47 = arith.constant dense<0.000000e+00> : vector<2048x256xf32>
    %dot_general3A_48 = tpu.matmul %add3A_19, %get3A_46, %dot_general3A_47 {dimension_numbers = #tpu.dot_dimension_numbers<[1], [0], [0], [1], [0, 0, 1, 1], [], []>, transpose_lhs_hint = false} : vector<2048x256xf32>, vector<256x256xf32>, vector<2048x256xf32> -> vector<2048x256xf32>
    %add3A_49 = arith.addf %add3A_43, %dot_general3A_48 : vector<2048x256xf32>
    %broadcast_in_dim3A_50 = arith.constant 1.000000e+00 : f32
    %broadcast_in_dim3A_51 = vector.broadcast %broadcast_in_dim3A_50 : f32 to vector<256x1xf32>
    %mul3A_52 = arith.mulf %add3A_37, %add3A_49 : vector<2048x256xf32>
    %dot_general3A_53 = arith.constant dense<0.000000e+00> : vector<2048x1xf32>
    %dot_general3A_54 = tpu.matmul %mul3A_52, %broadcast_in_dim3A_51, %dot_general3A_53 {dimension_numbers = #tpu.dot_dimension_numbers<[1], [0], [0], [1], [0, 0, 1, 1], [], []>, transpose_lhs_hint = false} : vector<2048x256xf32>, vector<256x1xf32>, vector<2048x1xf32> -> vector<2048x1xf32>
    %mul3A_55 = arith.constant 6.250000e-02 : f32
    %mul3A_56 = vector.broadcast %mul3A_55 : f32 to vector<2048x1xf32>
    %mul3A_57 = arith.mulf %dot_general3A_54, %mul3A_56 : vector<2048x1xf32>
    %mul3A_58 = arith.constant 2048 : i32
    %mul3A_59 = arith.muli %arg0, %mul3A_58 : i32
    %swap3A_60 = arith.index_cast %mul3A_59 : i32 to index
    %swap3A_61 = arith.constant 0 : index
    %swap3A_62 = vector.load %arg17[%swap3A_60, %swap3A_61] : memref<4096x1xf32, #tpu.memory_space<vmem>>, vector<2048x1xf32>
    tpu.vector_store %arg17[%swap3A_60, %swap3A_61], %mul3A_57 {strides = array<i32>} : memref<4096x1xf32, #tpu.memory_space<vmem>>, vector<2048x1xf32>,
    %eq3A_63 = arith.constant 1 : i32
    %eq3A_64 = arith.cmpi eq, %arg0, %eq3A_63 : i32
    %convert_element_type3A_65 = arith.extui %eq3A_64 : i1 to i32
    %cond3A_66 = arith.constant 0 : i32
    %cond3A_67 = arith.cmpi ne, %convert_element_type3A_65, %cond3A_66 : i32
    scf.if %cond3A_67 {
      %get3A_68 = arith.constant 0 : index
      %get3A_69 = arith.constant 0 : index
      %get3A_70 = vector.load %arg14[%get3A_68, %get3A_69] : memref<1x1xi32, #tpu.memory_space<vmem>>, vector<1x1xi32>
      %get3A_71 = vector.extract %get3A_70[0, 0] : i32 from vector<1x1xi32>
      %iota3A = tpu.iota {dimensions = array<i32: 0>} : vector<4096x256xi32>
      %get3A_72 = arith.constant 0 : index
      %get3A_73 = arith.constant 0 : index
      %get3A_74 = vector.load %arg19[%get3A_72, %get3A_73] : memref<1x256xi32, #tpu.memory_space<vmem>>, vector<1x256xi32>
      %get3A_75 = vector.shape_cast %get3A_74 : vector<1x256xi32> to vector<256xi32>
      %get3A_76 = arith.constant 0 : index
      %get3A_77 = arith.constant 0 : index
      %get3A_78 = vector.load %arg20[%get3A_76, %get3A_77] : memref<1x256xi32, #tpu.memory_space<vmem>>, vector<1x256xi32>
      %get3A_79 = vector.shape_cast %get3A_78 : vector<1x256xi32> to vector<256xi32>
      %broadcast_in_dim3A_80 = vector.shape_cast %get3A_75 : vector<256xi32> to vector<1x256xi32>
      %eq3A_81 = vector.broadcast %broadcast_in_dim3A_80 : vector<1x256xi32> to vector<4096x256xi32>
      %eq3A_82 = arith.cmpi eq, %iota3A, %eq3A_81 : vector<4096x256xi32>
      %convert_element_type3A_83 = arith.extui %eq3A_82 : vector<4096x256xi1> to vector<4096x256xi32>
      %convert_element_type3A_84 = arith.sitofp %convert_element_type3A_83 : vector<4096x256xi32> to vector<4096x256xf32>
      %broadcast_in_dim3A_85 = vector.shape_cast %get3A_79 : vector<256xi32> to vector<1x256xi32>
      %eq3A_86 = vector.broadcast %broadcast_in_dim3A_85 : vector<1x256xi32> to vector<4096x256xi32>
      %eq3A_87 = arith.cmpi eq, %iota3A, %eq3A_86 : vector<4096x256xi32>
      %convert_element_type3A_88 = arith.extui %eq3A_87 : vector<4096x256xi1> to vector<4096x256xi32>
      %convert_element_type3A_89 = arith.sitofp %convert_element_type3A_88 : vector<4096x256xi32> to vector<4096x256xf32>
      %get3A_90 = arith.constant 0 : index
      %get3A_91 = arith.constant 0 : index
      %get3A_92 = vector.load %arg17[%get3A_90, %get3A_91] : memref<4096x1xf32, #tpu.memory_space<vmem>>, vector<4096x1xf32>
      %dot_general3A_93 = arith.constant dense<0.000000e+00> : vector<1x256xf32>
      %dot_general3A_94 = tpu.matmul %get3A_92, %convert_element_type3A_84, %dot_general3A_93 {dimension_numbers = #tpu.dot_dimension_numbers<[0], [0], [1], [1], [0, 1, 1, 1], [], []>, transpose_lhs_hint = false} : vector<4096x1xf32>, vector<4096x256xf32>, vector<1x256xf32> -> vector<1x256xf32>
      %squeeze3A = vector.shape_cast %dot_general3A_94 : vector<1x256xf32> to vector<256xf32>
      %dot_general3A_95 = arith.constant dense<0.000000e+00> : vector<1x256xf32>
      %dot_general3A_96 = tpu.matmul %get3A_92, %convert_element_type3A_89, %dot_general3A_95 {dimension_numbers = #tpu.dot_dimension_numbers<[0], [0], [1], [1], [0, 1, 1, 1], [], []>, transpose_lhs_hint = false} : vector<4096x1xf32>, vector<4096x256xf32>, vector<1x256xf32> -> vector<1x256xf32>
      %squeeze3A_97 = vector.shape_cast %dot_general3A_96 : vector<1x256xf32> to vector<256xf32>
      %ge3A = arith.constant 0 : i32
      %ge3A_98 = vector.broadcast %ge3A : i32 to vector<256xi32>
      %ge3A_99 = arith.cmpi sge, %get3A_75, %ge3A_98 : vector<256xi32>
      %convert_element_type3A_100 = arith.extui %ge3A_99 : vector<256xi1> to vector<256xi32>
      %convert_element_type3A_101 = arith.sitofp %convert_element_type3A_100 : vector<256xi32> to vector<256xf32>
      %ge3A_102 = arith.constant 0 : i32
      %ge3A_103 = vector.broadcast %ge3A_102 : i32 to vector<256xi32>
      %ge3A_104 = arith.cmpi sge, %get3A_79, %ge3A_103 : vector<256xi32>
      %convert_element_type3A_105 = arith.extui %ge3A_104 : vector<256xi1> to vector<256xi32>
      %convert_element_type3A_106 = arith.sitofp %convert_element_type3A_105 : vector<256xi32> to vector<256xf32>
      %mul3A_107 = arith.mulf %squeeze3A, %convert_element_type3A_101 : vector<256xf32>
      %reduce_max3A = vector.shape_cast %mul3A_107 : vector<256xf32> to vector<1x256xf32>
      %reduce_max3A_108 = arith.constant dense<0xFF800000> : vector<1xf32>
      %reduce_max3A_109 = vector.multi_reduction <maximumf>, %reduce_max3A, %reduce_max3A_108 [1] : vector<1x256xf32> to vector<1xf32>
      %reduce_max3A_110 = vector.shape_cast %reduce_max3A_109 : vector<1xf32> to vector<1x1xf32>
      %reduce_max3A_111 = vector.extract %reduce_max3A_110[0, 0] : f32 from vector<1x1xf32>
      %sub3A = vector.broadcast %reduce_max3A_111 : f32 to vector<256xf32>
      %sub3A_112 = arith.subf %mul3A_107, %sub3A : vector<256xf32>
      %exp3A = math.exp %sub3A_112 : vector<256xf32>
      %mul3A_113 = arith.mulf %exp3A, %convert_element_type3A_101 : vector<256xf32>
      %reduce_sum3A = vector.shape_cast %mul3A_113 : vector<256xf32> to vector<1x256xf32>
      %reduce_sum3A_114 = arith.constant dense<0.000000e+00> : vector<1xf32>
      %reduce_sum3A_115 = vector.multi_reduction <add>, %reduce_sum3A, %reduce_sum3A_114 [1] : vector<1x256xf32> to vector<1xf32>
      %reduce_sum3A_116 = vector.shape_cast %reduce_sum3A_115 : vector<1xf32> to vector<1x1xf32>
      %reduce_sum3A_117 = vector.extract %reduce_sum3A_116[0, 0] : f32 from vector<1x1xf32>
      %add3A_118 = arith.constant 9.99999997E-7 : f32
      %add3A_119 = arith.addf %reduce_sum3A_117, %add3A_118 : f32
      %div3A = vector.broadcast %add3A_119 : f32 to vector<256xf32>
      %div3A_120 = arith.divf %mul3A_113, %div3A : vector<256xf32>
      %mul3A_121 = arith.mulf %squeeze3A_97, %convert_element_type3A_106 : vector<256xf32>
      %reduce_max3A_122 = vector.shape_cast %mul3A_121 : vector<256xf32> to vector<1x256xf32>
      %reduce_max3A_123 = arith.constant dense<0xFF800000> : vector<1xf32>
      %reduce_max3A_124 = vector.multi_reduction <maximumf>, %reduce_max3A_122, %reduce_max3A_123 [1] : vector<1x256xf32> to vector<1xf32>
      %reduce_max3A_125 = vector.shape_cast %reduce_max3A_124 : vector<1xf32> to vector<1x1xf32>
      %reduce_max3A_126 = vector.extract %reduce_max3A_125[0, 0] : f32 from vector<1x1xf32>
      %sub3A_127 = vector.broadcast %reduce_max3A_126 : f32 to vector<256xf32>
      %sub3A_128 = arith.subf %mul3A_121, %sub3A_127 : vector<256xf32>
      %exp3A_129 = math.exp %sub3A_128 : vector<256xf32>
      %mul3A_130 = arith.mulf %exp3A_129, %convert_element_type3A_106 : vector<256xf32>
      %reduce_sum3A_131 = vector.shape_cast %mul3A_130 : vector<256xf32> to vector<1x256xf32>
      %reduce_sum3A_132 = arith.constant dense<0.000000e+00> : vector<1xf32>
      %reduce_sum3A_133 = vector.multi_reduction <add>, %reduce_sum3A_131, %reduce_sum3A_132 [1] : vector<1x256xf32> to vector<1xf32>
      %reduce_sum3A_134 = vector.shape_cast %reduce_sum3A_133 : vector<1xf32> to vector<1x1xf32>
      %reduce_sum3A_135 = vector.extract %reduce_sum3A_134[0, 0] : f32 from vector<1x1xf32>
      %add3A_136 = arith.constant 9.99999997E-7 : f32
      %add3A_137 = arith.addf %reduce_sum3A_135, %add3A_136 : f32
      %div3A_138 = vector.broadcast %add3A_137 : f32 to vector<256xf32>
      %div3A_139 = arith.divf %mul3A_130, %div3A_138 : vector<256xf32>
      %broadcast_in_dim3A_140 = vector.shape_cast %div3A_120 : vector<256xf32> to vector<256x1xf32>
      %dot_general3A_141 = arith.constant dense<0.000000e+00> : vector<4096x1xf32>
      %dot_general3A_142 = tpu.matmul %convert_element_type3A_84, %broadcast_in_dim3A_140, %dot_general3A_141 {dimension_numbers = #tpu.dot_dimension_numbers<[1], [0], [0], [1], [0, 0, 1, 1], [], []>, transpose_lhs_hint = false} : vector<4096x256xf32>, vector<256x1xf32>, vector<4096x1xf32> -> vector<4096x1xf32>
      %broadcast_in_dim3A_143 = vector.shape_cast %div3A_139 : vector<256xf32> to vector<256x1xf32>
      %dot_general3A_144 = arith.constant dense<0.000000e+00> : vector<4096x1xf32>
      %dot_general3A_145 = tpu.matmul %convert_element_type3A_89, %broadcast_in_dim3A_143, %dot_general3A_144 {dimension_numbers = #tpu.dot_dimension_numbers<[1], [0], [0], [1], [0, 0, 1, 1], [], []>, transpose_lhs_hint = false} : vector<4096x256xf32>, vector<256x1xf32>, vector<4096x1xf32> -> vector<4096x1xf32>
      %add3A_146 = arith.addf %dot_general3A_142, %dot_general3A_145 : vector<4096x1xf32>
      %add3A_147 = arith.addf %div3A_120, %div3A_139 : vector<256xf32>
      %broadcast_in_dim3A_148 = vector.shape_cast %add3A_147 : vector<256xf32> to vector<1x256xf32>
      %get3A_149 = arith.constant 0 : index
      %get3A_150 = arith.constant 0 : index
      %get3A_151 = vector.load %arg5[%get3A_149, %get3A_150] : memref<256x256xf32, #tpu.memory_space<vmem>>, vector<256x256xf32>
      %dot_general3A_152 = arith.constant dense<0.000000e+00> : vector<1x256xf32>
      %dot_general3A_153 = tpu.matmul %broadcast_in_dim3A_148, %get3A_151, %dot_general3A_152 {dimension_numbers = #tpu.dot_dimension_numbers<[1], [0], [0], [1], [0, 0, 1, 1], [], []>, transpose_lhs_hint = false} : vector<1x256xf32>, vector<256x256xf32>, vector<1x256xf32> -> vector<1x256xf32>
      %get3A_154 = arith.constant 0 : index
      %get3A_155 = arith.constant 0 : index
      %get3A_156 = vector.load %arg18[%get3A_154, %get3A_155] : memref<4096x256xf32, #tpu.memory_space<vmem>>, vector<4096x256xf32>
      %dot_general3A_157 = arith.constant dense<0.000000e+00> : vector<1x256xf32>
      %dot_general3A_158 = tpu.matmul %add3A_146, %get3A_156, %dot_general3A_157 {dimension_numbers = #tpu.dot_dimension_numbers<[0], [0], [1], [1], [0, 1, 1, 1], [], []>, transpose_lhs_hint = false} : vector<4096x1xf32>, vector<4096x256xf32>, vector<1x256xf32> -> vector<1x256xf32>
      %get3A_159 = arith.constant 0 : index
      %get3A_160 = arith.constant 0 : index
      %get3A_161 = vector.load %arg9[%get3A_159, %get3A_160] : memref<512x256xf32, #tpu.memory_space<vmem>>, vector<256x256xf32>
      %dot_general3A_162 = arith.constant dense<0.000000e+00> : vector<1x256xf32>
      %dot_general3A_163 = tpu.matmul %dot_general3A_153, %get3A_161, %dot_general3A_162 {dimension_numbers = #tpu.dot_dimension_numbers<[1], [0], [0], [1], [0, 0, 1, 1], [], []>, transpose_lhs_hint = false} : vector<1x256xf32>, vector<256x256xf32>, vector<1x256xf32> -> vector<1x256xf32>
      %get3A_164 = arith.constant 256 : index
      %get3A_165 = arith.constant 0 : index
      %get3A_166 = vector.load %arg9[%get3A_164, %get3A_165] : memref<512x256xf32, #tpu.memory_space<vmem>>, vector<256x256xf32>
      %dot_general3A_167 = arith.constant dense<0.000000e+00> : vector<1x256xf32>
      %dot_general3A_168 = tpu.matmul %dot_general3A_158, %get3A_166, %dot_general3A_167 {dimension_numbers = #tpu.dot_dimension_numbers<[1], [0], [0], [1], [0, 0, 1, 1], [], []>, transpose_lhs_hint = false} : vector<1x256xf32>, vector<256x256xf32>, vector<1x256xf32> -> vector<1x256xf32>
      %add3A_169 = arith.addf %dot_general3A_163, %dot_general3A_168 : vector<1x256xf32>
      %get3A_170 = arith.constant 0 : index
      %get3A_171 = vector.load %arg13[%get3A_170] : memref<256xf32, #tpu.memory_space<vmem>>, vector<256xf32>
      %broadcast_in_dim3A_172 = vector.shape_cast %get3A_171 : vector<256xf32> to vector<1x256xf32>
      %add3A_173 = arith.addf %add3A_169, %broadcast_in_dim3A_172 : vector<1x256xf32>
      %iota3A_174 = tpu.iota {dimensions = array<i32: 0>} : vector<256x1xi32>
      %eq3A_175 = vector.broadcast %get3A_71 : i32 to vector<256x1xi32>
      %eq3A_176 = arith.cmpi eq, %iota3A_174, %eq3A_175 : vector<256x1xi32>
      %get3A_177 = arith.constant 0 : index
      %get3A_178 = arith.constant 0 : index
      %get3A_179 = vector.load %arg5[%get3A_177, %get3A_178] : memref<256x256xf32, #tpu.memory_space<vmem>>, vector<256x256xf32>
      %jit3A = arith.constant 0.000000e+00 : f32
      %broadcast_in_dim3A_180 = vector.shape_cast %eq3A_176 : vector<256x1xi1> to vector<256x1xi1>
      %broadcast_in_dim3A_181 = vector.broadcast %broadcast_in_dim3A_180 : vector<256x1xi1> to vector<256x256xi1>
      %broadcast_in_dim3A_182 = vector.shape_cast %add3A_173 : vector<1x256xf32> to vector<1x256xf32>
      %broadcast_in_dim3A_183 = vector.broadcast %broadcast_in_dim3A_182 : vector<1x256xf32> to vector<256x256xf32>
      %broadcast_in_dim3A_184 = vector.broadcast %jit3A : f32 to vector<256x256xf32>
      %select_n3A = arith.select %broadcast_in_dim3A_181, %broadcast_in_dim3A_183, %broadcast_in_dim3A_184 : vector<256x256xi1>, vector<256x256xf32>
      %add3A_185 = arith.addf %get3A_179, %select_n3A : vector<256x256xf32>
      %swap3A_186 = arith.constant 0 : index
      %swap3A_187 = arith.constant 0 : index
      %swap3A_188 = vector.load %arg16[%swap3A_186, %swap3A_187] : memref<256x256xf32, #tpu.memory_space<vmem>>, vector<256x256xf32>
      tpu.vector_store %arg16[%swap3A_186, %swap3A_187], %add3A_185 {strides = array<i32>} : memref<256x256xf32, #tpu.memory_space<vmem>>, vector<256x256xf32>,
    } else {
    }
    return
  }
  func.func @transform_0(%arg0: i32) -> (i32, i32) {
    %c0_i32 = arith.constant 0 : i32
    %c0_i32_0 = arith.constant 0 : i32
    %c0_i32_1 = arith.constant 0 : i32
    return %c0_i32, %c0_i32_0 : i32, i32
  }
  func.func @transform_1(%arg0: i32) -> (i32, i32) {
    %c0_i32 = arith.constant 0 : i32
    %c0_i32_0 = arith.constant 0 : i32
    return %arg0, %c0_i32 : i32, i32
  }
  func.func @transform_2(%arg0: i32) -> (i32, i32) {
    %c0_i32 = arith.constant 0 : i32
    %c0_i32_0 = arith.constant 0 : i32
    return %arg0, %c0_i32 : i32, i32
  }
  func.func @transform_3(%arg0: i32) -> (i32, i32) {
    %c0_i32 = arith.constant 0 : i32
    %c0_i32_0 = arith.constant 0 : i32
    return %arg0, %c0_i32 : i32, i32
  }
  func.func @transform_4(%arg0: i32) -> (i32, i32) {
    %c0_i32 = arith.constant 0 : i32
    %c0_i32_0 = arith.constant 0 : i32
    %c0_i32_1 = arith.constant 0 : i32
    return %c0_i32, %c0_i32_0 : i32, i32
  }
  func.func @transform_5(%arg0: i32) -> (i32, i32) {
    %c0_i32 = arith.constant 0 : i32
    %c0_i32_0 = arith.constant 0 : i32
    %c0_i32_1 = arith.constant 0 : i32
    return %c0_i32, %c0_i32_0 : i32, i32
  }
  func.func @transform_6(%arg0: i32) -> (i32, i32) {
    %c0_i32 = arith.constant 0 : i32
    %c0_i32_0 = arith.constant 0 : i32
    %c0_i32_1 = arith.constant 0 : i32
    return %c0_i32, %c0_i32_0 : i32, i32
  }
  func.func @transform_7(%arg0: i32) -> (i32, i32) {
    %c0_i32 = arith.constant 0 : i32
    %c0_i32_0 = arith.constant 0 : i32
    %c0_i32_1 = arith.constant 0 : i32
    return %c0_i32, %c0_i32_0 : i32, i32
  }
  func.func @transform_8(%arg0: i32) -> (i32, i32) {
    %c0_i32 = arith.constant 0 : i32
    %c0_i32_0 = arith.constant 0 : i32
    %c0_i32_1 = arith.constant 0 : i32
    return %c0_i32, %c0_i32_0 : i32, i32
  }
  func.func @transform_9(%arg0: i32) -> i32 {
    %c0_i32 = arith.constant 0 : i32
    %c0_i32_0 = arith.constant 0 : i32
    return %c0_i32 : i32
  }
  func.func @transform_10(%arg0: i32) -> i32 {
    %c0_i32 = arith.constant 0 : i32
    %c0_i32_0 = arith.constant 0 : i32
    return %c0_i32 : i32
  }
  func.func @transform_11(%arg0: i32) -> i32 {
    %c0_i32 = arith.constant 0 : i32
    %c0_i32_0 = arith.constant 0 : i32
    return %c0_i32 : i32
  }
  func.func @transform_12(%arg0: i32) -> i32 {
    %c0_i32 = arith.constant 0 : i32
    %c0_i32_0 = arith.constant 0 : i32
    return %c0_i32 : i32
  }
  func.func @transform_13(%arg0: i32) -> (i32, i32) {
    %c0_i32 = arith.constant 0 : i32
    %c0_i32_0 = arith.constant 0 : i32
    %c0_i32_1 = arith.constant 0 : i32
    return %c0_i32, %c0_i32_0 : i32, i32
  }
  func.func @transform_14(%arg0: i32) -> (i32, i32) {
    %c0_i32 = arith.constant 0 : i32
    %c0_i32_0 = arith.constant 0 : i32
    return %arg0, %c0_i32 : i32, i32
  }
  func.func @transform_15(%arg0: i32) -> (i32, i32) {
    %c0_i32 = arith.constant 0 : i32
    %c0_i32_0 = arith.constant 0 : i32
    %c0_i32_1 = arith.constant 0 : i32
    return %c0_i32, %c0_i32_0 : i32, i32
  }
}

</mosaic_0001>

<sc_bundles>
// kernel: _run.5.cloned.1.call-start
scs
__scs_entry_jumppad:
0x0: {  	(pc) =	sbr.rel $0x88, $3  }
0x1: {  	(tag) =	ssettag $0x0;
	lr =	simm.s32 $0x1  }
0x2: {  	[smem:$0x3F95] =	sst lr;
	_ =	strace $0xD0000000  }
0x3: {  	_ = 	snop  }
0x4: {  	_ = 	snop  }
0x5: {  	_ = 	snop  }
0x6: {  	_ = 	snop  }
0x7: {  	_ = 	snop  }
__scs_overlays_trampoline_lowered:
0x8: {  	[smem:$0x3FA4] =	sst s0  }
0x9: {  	[smem:$0x3FA5] =	sst s1  }
0xa: {  	[smem:$0x3FA6] =	sst s2  }
0xb: {  	[smem:$0x3FA7] =	sst s3  }
0xc: {  	[smem:$0x3FA8] =	sst s4  }
0xd: {  	[smem:$0x3FA9] =	sst s5  }
0xe: {  	[smem:$0x3FAA] =	sst s6  }
0xf: {  	[smem:$0x3FAB] =	sst s7  }
0x10: {  	[smem:$0x3FAC] =	sst s8  }
0x11: {  	[smem:$0x3FAD] =	sst s9;
	s0 =	simm.s32 @!p0 $0x0  }
0x12: {  	s1 =	sld [smem:$0x3F93];
	s0 =	simm.s32 @p0 $0x1  }
0x13: {  	[smem:$0x3FAE] =	sst s0;
	s0 =	simm.s32 @!p1 $0x0  }
0x14: {  	s2 =	sld [smem:$0x3F92];
	s0 =	simm.s32 @p1 $0x1  }
0x15: {  	[smem:$0x3FAF] =	sst s0;
	s0 =	simm.s32 @!p2 $0x0  }
0x16: {  	s3 =	sld [smem:$0x3FDB];
	s0 =	simm.s32 @p2 $0x1  }
0x17: {  	s4 =	simm.s32 $0x1BF5;
	[smem:$0x3FB1] =	sst s0  }
0x18: {  	s0 =	sld [smem:$0x3F94];
	_ =	swait.ge [sflag:s4], $0x0  }
0x19: {  	s7 =	sld [smem:$0x3F95]  }
0x1a: {  	s8 =	sadd.s32 $0xFFFFE003, lr  }
0x1b: {  	s9 =	sadd.s32 $0xFFFFFEF7, lr;
	s5 =	simm.s32 $0xFFFFFFFF;
	p2 =	slt.u32 s8, $0xFFFFF086  }
0x1c: {  	p1 =	slt.u32 s9, $0xF7A;
	s5 =	simm.s32 @!p2 $0x0  }
0x1d: {  	s5 =	simm.s32 @p1 $0x1;
	p0 =	seq.s32 s7, s2  }
0x1e: {  	s7 =	smul.u32 @!p0 $0xF7A, s2;
	p2 =	seq.s32 @!p0 s5, $0x0  }
0x1f: {  	s9 =	smul.u32 $0xF7A, s1;
	s8 =	simm.s32 @!p0 $0x1BF5;
	p2 =	por !p2, p0  }
0x20: {  	[sflag:s8] =	ssyncset.s32 @!p0 $0xFFFFF086;
	s6 =	sadd.s32 @!p0 s3, s7;
	s7 =	simm.s32 @!p0 $0x108  }
0x21: {  	s3 =	sadd.s32 s3, s9;
	s6 =	sadd.s32 @!p0 $0x88, s6;
	s7 =	simm.s32 @p2 $0x1082  }
0x22: {  	[simem:s7], [sflag:s8] =	dma.local @!p0 [hbm:s6], $0xF7A  }
0x23: {  	s9 =	sor.u32 $0xD0000000, s2;
	s6 =	simm.s32 $0x108;
	_ =	swait.ge @!p0 [sflag:s8], $0x0  }
0x24: {  	s3 =	sadd.s32 $0x88, s3;
	s6 =	simm.s32 @!p1 $0x1082;
	[sflag:s4] =	ssyncset.s32 $0xFFFFF086  }
0x25: {  	[simem:s6], [sflag:s4] =	dma.local [hbm:s3], $0xF7A  }
0x26: {  	[smem:$0x3F95] =	sst s1;
	(tag) =	ssettag s2;
	_ =	strace s9  }
0x27: {  	s1 =	sld [smem:$0x3FA5]  }
0x28: {  	s2 =	sld [smem:$0x3FA6]  }
0x29: {  	s4 =	sld [smem:$0x3FA8]  }
0x2a: {  	p0 =	seq.s32 s5, $0x0;
	s5 =	sld [smem:$0x3FA9]  }
0x2b: {  	s6 =	sld [smem:$0x3FAA]  }
0x2c: {  	s7 =	sld [smem:$0x3FAB]  }
0x2d: {  	s3 =	simm.s32 $0x108;
	s8 =	sld [smem:$0x3FAC]  }
0x2e: {  	s3 =	simm.s32 @!p0 $0x1082;
	s9 =	sld [smem:$0x3FAD]  }
0x2f: {  	lr =	sadd.s32 s0, s3;
	s0 =	sld [smem:$0x3FA4]  }
0x30: {  	s3 =	sld [smem:$0x3FA7]  }
0x31: {  	[smem:$0x3FB0] =	sst s10  }
0x32: {  	s10 =	sld [smem:$0x3FAE];
	_ =	sdelay $0x3  }
0x33: {  	p0 =	seq.s32 s10, $0x1;
	s10 =	sld [smem:$0x3FB0];
	_ =	sdelay $0x3  }
0x34: {  	[smem:$0x3FB0] =	sst s10  }
0x35: {  	s10 =	sld [smem:$0x3FAF];
	_ =	sdelay $0x3  }
0x36: {  	p1 =	seq.s32 s10, $0x1;
	s10 =	sld [smem:$0x3FB0];
	_ =	sdelay $0x3  }
0x37: {  	[smem:$0x3FB0] =	sst s10  }
0x38: {  	s10 =	sld [smem:$0x3FB1]  }
0x39: {  	_ = 	snop;
	(pc) =	sbr.ind lr, $3  }
0x3a: {  	_ = 	snop  }
0x3b: {  	_ = 	snop  }
0x3c: {  	p2 =	seq.s32 s10, $0x1;
	s10 =	sld [smem:$0x3FB0]  }
0x3d: {  	_ =	shalt  }
0x3e: {  	_ =	shalt  }
0x3f: {  	_ =	shalt  }
0x40: {  	_ =	shalt  }
0x41: {  	_ =	shalt  }
0x42: {  	_ =	shalt  }
0x43: {  	_ =	shalt  }
0x44: {  	_ =	shalt  }
0x45: {  	_ =	shalt  }
0x46: {  	_ =	shalt  }
0x47: {  	_ =	shalt  }
0x48: {  	_ =	shalt  }
0x49: {  	_ =	shalt  }
0x4a: {  	_ =	shalt  }
0x4b: {  	_ =	shalt  }
0x4c: {  	_ =	shalt  }
0x4d: {  	_ =	shalt  }
0x4e: {  	_ =	shalt  }
0x4f: {  	_ =	shalt  }
0x50: {  	_ =	shalt  }
0x51: {  	_ =	shalt  }
0x52: {  	_ =	shalt  }
0x53: {  	_ =	shalt  }
0x54: {  	_ =	shalt  }
0x55: {  	_ =	shalt  }
0x56: {  	_ =	shalt  }
0x57: {  	_ =	shalt  }
0x58: {  	_ =	shalt  }
0x59: {  	_ =	shalt  }
0x5a: {  	_ =	shalt  }
0x5b: {  	_ =	shalt  }
0x5c: {  	_ =	shalt  }
0x5d: {  	_ =	shalt  }
0x5e: {  	_ =	shalt  }
0x5f: {  	_ =	shalt  }
0x60: {  	_ =	shalt  }
0x61: {  	_ =	shalt  }
0x62: {  	_ =	shalt  }
0x63: {  	_ =	shalt  }
0x64: {  	_ =	shalt  }
0x65: {  	_ =	shalt  }
0x66: {  	_ =	shalt  }
0x67: {  	_ =	shalt  }
0x68: {  	_ =	shalt  }
0x69: {  	_ =	shalt  }
0x6a: {  	_ =	shalt  }
0x6b: {  	_ =	shalt  }
0x6c: {  	_ =	shalt  }
0x6d: {  	_ =	shalt  }
0x6e: {  	_ =	shalt  }
0x6f: {  	_ =	shalt  }
0x70: {  	_ =	shalt  }
0x71: {  	_ =	shalt  }
0x72: {  	_ =	shalt  }
0x73: {  	_ =	shalt  }
0x74: {  	_ =	shalt  }
0x75: {  	_ =	shalt  }
0x76: {  	_ =	shalt  }
0x77: {  	_ =	shalt  }
0x78: {  	_ =	shalt  }
0x79: {  	_ =	shalt  }
0x7a: {  	_ =	shalt  }
0x7b: {  	_ =	shalt  }
0x7c: {  	_ =	shalt  }
0x7d: {  	_ =	shalt  }
0x7e: {  	_ =	shalt  }
0x7f: {  	_ =	shalt  }
0x80: {  	_ =	shalt  }
0x81: {  	_ =	shalt  }
0x82: {  	_ =	shalt  }
0x83: {  	_ =	shalt  }
0x84: {  	_ =	shalt  }
0x85: {  	_ =	shalt  }
0x86: {  	_ =	shalt  }
0x87: {  	_ =	shalt  }
.Lfunc_end0:
.L_simem_size_0:
called_computation_lowered:
.L_overlay_start_0:
0x88: {  	s2 =	sld [smem:$0x3FD9]  }
0x89: {  	s3 =	sld [smem:$0x3FFE];
	_ =	sdelay $0x1  }
0x8a: {  	s1 =	srdreg.scid  }
0x8b: {  	s0 =	sand.u32 $0x1, s1  }
0x8c: {  	s14 =	sshll.u32 s0, $0xA;
	s2 =	sadd.s32 s3, s2  }
0x8d: {  	s2 =	sadd.s32 s2, s14  }
0x8e: {  	[smem:$0x3FBC] =	sst s2  }
0x8f: {  	_ = 	snop  }
0x90: {  	s2 =	sld [smem:$0x3FD0];
	_ =	sdelay $0x2  }
0x91: {  	s15 =	simm.s32 $0xA;
	s4 =	simm.s32 $0x10  }
0x92: {  	[smem:s4], [sflag:s15] =	dma.local [hbm:s2], $0x1  }
0x93: {  	_ =	swait.eq [sflag:s15], $0x1  }
0x94: {  	[sflag:s15] =	ssyncset.done $0x0  }
0x95: {  	s16 =	sld [smem:$0x10];
	[sflag:s15] =	ssyncadd.s32 $0xFFFFFFFF  }
0x96: {  	s17 =	sld [smem:$0x11];
	(tm) =	ssettm $0x1  }
0x97: {  	s18 =	sld [smem:$0x3FFB];
	_ =	sdelay $0x3  }
0x98: {  	_ =	strace s18  }
0x99: {  	s4 =	sld [smem:$0x3FFC];
	_ =	sdelay $0x3  }
0x9a: {  	_ =	strace s4  }
0x9b: {  	s4 =	sld [smem:$0x3FFD];
	_ =	sdelay $0x3  }
0x9c: {  	_ =	strace s4  }
0x9d: {  	_ =	strace $0x8FFFFFFF  }
0x9e: {  	s19 =	sld [smem:$0x3FDB];
	_ =	sdelay $0x1  }
0x9f: {  	s5 =	simm.s32 $_scs_section_size  }
0xa0: {  	s6 =	simm.s32 $_size__tile_overlayer_lowered;
	s7 =	simm.s32 $_tile_overlayer_lowered  }
0xa1: {  	s22 =	simm.s32 $0x1BFF;
	s21 =	sshll.u32 s7, $0x1;
	s4 =	sadd.s32 s5, s19  }
0xa2: {  	s8 =	simm.s32 $0x0;
	s20 =	sshll.u32 s6, $0x1;
	s6 =	sadd.s32 s21, s4  }
0xa3: {  	[timem:s8], [sflag:s22] =	dma.local [hbm:s6], s20  }
0xa4: {  	_ =	swait.ge [sflag:s22], s20  }
0xa5: {  	s5 =	ssub.s32 $0x0, s20;
	[sflag:s22] =	ssyncset.done $0x0  }
0xa6: {  	[sflag:s22] =	ssyncadd.s32 s5;
	_ =	sdelay $0x1  }
0xa7: {  	s23 =	simm.s32 $0x1B8B  }
0xa8: {  	_ =	swait.ge [sflag:s23], $0x1  }
0xa9: {  	[sflag:s23] =	ssyncset.done $0x0  }
0xaa: {  	s25 =	simm.s32 $0x1B8E;
	s24 =	sld [smem:$0x3FFE];
	[sflag:s23] =	ssyncadd.s32 $0xFFFFFFFF  }
0xab: {  	s26 =	simm.s32 $execute0_lowered;
	[smem:$0x3FD2] =	sst s25  }
0xac: {  	s6 =	sshll.u32 s26, $0x1;
	_ =	strace $0x80000046;
	[dreg:$0x1] =	wrdreg $0xFFFFFFFF  }
0xad: {  	s28 =	simm.s32 $_size_execute0_lowered;
	s4 =	sadd.s32 s4, s6;
	[dreg:$0x0] =	wrdreg $0x0  }
0xae: {  	s6 =	sshll.u32 s28, $0x1;
	[dreg:$0x2] =	wrdreg s4  }
0xaf: {  	[dreg:$0x3] =	wrdreg s6  }
0xb0: {  	[dreg:$0x4] =	wrdreg $0xC0  }
0xb1: {  	_ =	task [dreg:s8], $0x5FFFF  }
0xb2: {  	[dreg:$0x1] =	wrdreg $0xFFFFFFFF  }
0xb3: {  	[dreg:$0x0] =	wrdreg $0x60  }
0xb4: {  	[dreg:$0x2] =	wrdreg s17  }
0xb5: {  	[dreg:$0x3] =	wrdreg s24  }
0xb6: {  	[dreg:$0x4] =	wrdreg s16  }
0xb7: {  	[dreg:$0x5] =	wrdreg $0x9  }
0xb8: {  	_ =	task.clear_ibuf [dreg:s8], $0x6FFFF;
	_ =	strace $0x90000046  }
0xb9: {  	s29 =	simm.s32 $0x9;
	_ =	strace $0x80000048  }
0xba: {  	_ =	swait.ge [sflag:s29], $0x1  }
0xbb: {  	[sflag:s29] =	ssyncadd.s32 $0xFFFFFFFF  }
0xbc: {  	_ =	strace $0x90000048  }
0xbd: {  	_ =	sfence  }
0xbe: {  	s30 =	sld [smem:$0x0];
	_ =	sdelay $0x2  }
0xbf: {  	s31 =	sshll.u32 s1, $0xD;
	s1 =	sshrl.u32 s1, $0x2  }
0xc0: {  	s3 =	sand.u32 $0x4000, s31;
	s1 =	sadd.s32 s1, s30  }
0xc1: {  	s0 =	sor.u32 s3, s0;
	s1 =	sshll.u32 s1, $0x11  }
0xc2: {  	s0 =	sor.u32 s1, s0  }
0xc3: {  	s0 =	sadd.s32 $0x8F2B, s0  }
0xc4: {  	[sflag:s0] =	ssyncadd.remote.s32 $0x1  }
0xc5: {  	_ =	sfence.sel $0xFFFF  }
0xc6: {  	[dreg:$0x0] =	wrdreg $0xFFFFFFFF;
	(pc) =	sbr.abs _section_cstart, $3  }
0xc7: {  	[dreg:$0x1] =	wrdreg $0xFFFFFFFF  }
0xc8: {  	_ =	task.clear_ibuf [dreg:s8], $0x2FFFF;
	_ =	strace $0x9FFFFFFF  }
0xc9: {  	(tm) =	ssettm $0x7FFFFFFF  }
tec
execute0_lowered:
.L_overlay_start_1:
0x0: {  	(tag) =	ssettag $0x1  }
0x1: {  	s1 =	rddreg [dreg:$0x0]  }
0x2: {  	s0 =	rddreg [dreg:$0x1]  }
0x3: {  	s2 =	rddreg [dreg:$0x2]  }
0x4: {  	s3 =	srdreg.scid;
	s4 =	stileid.u32;
	s18 =	simm.s32 $0x1  }
0x5: {  	s20 =	simm.s32 $0x880;
	s21 =	simm.s32 $0x1080;
	s22 =	simm.s32 $0x1880  }
0x6: {  	s23 =	simm.s32 $0x2080;
	s28 =	simm.s32 $0x4080;
	s29 =	simm.s32 $0x4880  }
0x7: {  	s30 =	simm.s32 $0x5080;
	s31 =	simm.s32 $0x5880;
	s11 =	simm.s32 $0x7880  }
0x8: {  	s12 =	simm.s32 $0x8080;
	s13 =	simm.s32 $0x8880;
	s14 =	simm.s32 $0x9080  }
0x9: {  	s15 =	simm.s32 $0x9880;
	s16 =	simm.s32 $0xA080;
	s17 =	simm.s32 $0xA880  }
0xa: {  	s5 =	sand.u32 $0x1, s3;
	s3 =	simm.s32 $0x0;
	s4 =	sshll.u32 s4, $0x8  }
0xb: {  	s6 =	sshll.u32 s5, $0x7;
	[smem:$0x7FF] =	sst s3;
	s5 =	ssub.s32 $0x2, s5  }
0xc: {  	s6 =	sor.u32 s6, s4;
	_ =	strace $0x80000047;
	s4 =	sadd.s32 $0x3400, s0  }
0xd: {  	s24 =	sshrl.u32 s5, $0x1;
	s7 =	sshrl.u32 s6, $0x3;
	s6 =	sshll.u32 s6, $0x6  }
0xe: {  	s10 =	ssub.s32 s5, s24;
	s5 =	sadd.s32 $0x100, s1;
	s24 =	simm.s32 $0x2880  }
0xf: {  	s8 =	sadd.s32 s7, s0;
	s9 =	sadd.s32 s6, s0;
	s2 =	sadd.s32 s2, s7  }
0x10: {  	s6 =	sadd.s32 $0x3500, s0;
	s8 =	sadd.s32 $0x3200, s8;
	[dreg:$0x6] =	wrdreg s2  }
0x11: {  	s7 =	smax.u32 s10, $0x1;
	s25 =	sadd.s32 $0x7400, s9;
	[dreg:$0x4] =	wrdreg s8  }
0x12: {  	v2 =	vlaneseq.u32;
	s10 =	simm.s32 $0x7080;
	s26 =	sadd.s32 $0x47400, s9;
	[dreg:$0x5] =	wrdreg s25  }
0x13: {  	vm0 =	vmmov $0xffff;
	v1 =	vshrl.u32 v2, $0x3;
	s2 =	simm.s32 $0x6880;
	s9 =	simm.s32 $0xB080;
	[dreg:$0x7] =	wrdreg s26  }
0x14: {  	v0 =	vand.u32 $0x7, v2;
	v2 =	vor.u32 $0x8, v2;
	v1 =	vmul.u32 $0x8, v1;
	s8 =	simm.s32 $0x2;
	s25 =	simm.s32 $0x3080;
	s26 =	simm.s32 $0x3880  }
.LBB2_1:
0x15: {  	s19 =	rddreg [dreg:$0x4]  }
0x16: {  	[tilespmem:s3], [sflag:$0x2] =	stream.linear.gather [hbm4b:s19+s3], $0x80, $0x38;
	[tilespmem:$0x10080] =	vst v63  }
0x17: {  	_ =	swait.ge [sflag:s8], $0x80  }
0x18: {  	[sflag:s8] =	ssyncset.done $0x0  }
0x19: {  	[sflag:s8] =	ssyncadd.s32 $0xFFFFFF80  }
0x1a: {  	v3 =	vld [tilespmem:$0x0];
	_ =	sdelay $0x4  }
0x1b: {  	v4 =	vshll.u32 v3, $0x2  }
0x1c: {  	v3 =	vand.u32 $0x7, v3;
	v4 =	vand.u32 $0xFFFFFFE0, v4  }
0x1d: {  	v3 =	vor.u32 v3, v4  }
0x1e: {  	v4 =	vperm.xlane v3, v0;
	_ =	sdelay $0x1  }
0x1f: {  	v4 =	vadd.s32 v1, v4;
	_ =	sdelay $0x1  }
0x20: {  	v3 =	vperm.xlane v3, v2;
	_ =	sdelay $0x1  }
0x21: {  	s0 =	simm.s32 $0x80;
	v3 =	vadd.s32 v1, v3  }
0x22: {  	[tilespmem:s0], [sflag:$0x1] =	stream.indirect_vreg.gather [hbm4b:s1+s3], $0x80, v4, vm0, $0xb8;
	[tilespmem:$0x10080] =	vst v63  }
0x23: {  	_ = 	snop  }
0x24: {  	[tilespmem:s20], [sflag:$0x1] =	stream.indirect_vreg.gather [hbm4b:s5+s3], $0x80, v4, vm0, $0xb8;
	[tilespmem:$0x10080] =	vst v63  }
0x25: {  	_ = 	snop  }
0x26: {  	[tilespmem:s21], [sflag:$0x1] =	stream.indirect_vreg.gather [hbm4b:s1+s3], $0x80, v3, vm0, $0xb8;
	[tilespmem:$0x10080] =	vst v63  }
0x27: {  	_ = 	snop  }
0x28: {  	[tilespmem:s22], [sflag:$0x1] =	stream.indirect_vreg.gather [hbm4b:s5+s3], $0x80, v3, vm0, $0xb8;
	[tilespmem:$0x10080] =	vst v63  }
0x29: {  	v3 =	vld [tilespmem:$0x10];
	_ =	sdelay $0x4  }
0x2a: {  	v49 =	vshll.u32 v3, $0x2  }
0x2b: {  	v3 =	vand.u32 $0x7, v3;
	v4 =	vand.u32 $0xFFFFFFE0, v49  }
0x2c: {  	v3 =	vor.u32 v3, v4  }
0x2d: {  	v4 =	vperm.xlane v3, v0;
	_ =	sdelay $0x1  }
0x2e: {  	v4 =	vadd.s32 v1, v4;
	_ =	sdelay $0x1  }
0x2f: {  	v3 =	vperm.xlane v3, v2;
	_ =	sdelay $0x1  }
0x30: {  	v3 =	vadd.s32 v1, v3  }
0x31: {  	[tilespmem:s23], [sflag:$0x1] =	stream.indirect_vreg.gather [hbm4b:s1+s3], $0x80, v4, vm0, $0xb8;
	[tilespmem:$0x10080] =	vst v63  }
0x32: {  	_ = 	snop  }
0x33: {  	[tilespmem:s24], [sflag:$0x1] =	stream.indirect_vreg.gather [hbm4b:s5+s3], $0x80, v4, vm0, $0xb8;
	[tilespmem:$0x10080] =	vst v63  }
0x34: {  	_ = 	snop  }
0x35: {  	[tilespmem:s25], [sflag:$0x1] =	stream.indirect_vreg.gather [hbm4b:s1+s3], $0x80, v3, vm0, $0xb8;
	[tilespmem:$0x10080] =	vst v63  }
0x36: {  	_ = 	snop  }
0x37: {  	[tilespmem:s26], [sflag:$0x1] =	stream.indirect_vreg.gather [hbm4b:s5+s3], $0x80, v3, vm0, $0xb8;
	[tilespmem:$0x10080] =	vst v63  }
0x38: {  	v3 =	vld [tilespmem:$0x20];
	_ =	sdelay $0x4  }
0x39: {  	v50 =	vshll.u32 v3, $0x2  }
0x3a: {  	v3 =	vand.u32 $0x7, v3;
	v4 =	vand.u32 $0xFFFFFFE0, v50  }
0x3b: {  	v3 =	vor.u32 v3, v4  }
0x3c: {  	v4 =	vperm.xlane v3, v0;
	_ =	sdelay $0x1  }
0x3d: {  	v4 =	vadd.s32 v1, v4;
	_ =	sdelay $0x1  }
0x3e: {  	v3 =	vperm.xlane v3, v2;
	_ =	sdelay $0x1  }
0x3f: {  	v3 =	vadd.s32 v1, v3  }
0x40: {  	[tilespmem:s28], [sflag:$0x1] =	stream.indirect_vreg.gather [hbm4b:s1+s3], $0x80, v4, vm0, $0xb8;
	[tilespmem:$0x10080] =	vst v63  }
0x41: {  	_ = 	snop  }
0x42: {  	[tilespmem:s29], [sflag:$0x1] =	stream.indirect_vreg.gather [hbm4b:s5+s3], $0x80, v4, vm0, $0xb8;
	[tilespmem:$0x10080] =	vst v63  }
0x43: {  	_ = 	snop  }
0x44: {  	[tilespmem:s30], [sflag:$0x1] =	stream.indirect_vreg.gather [hbm4b:s1+s3], $0x80, v3, vm0, $0xb8;
	[tilespmem:$0x10080] =	vst v63  }
0x45: {  	_ = 	snop  }
0x46: {  	[tilespmem:s31], [sflag:$0x1] =	stream.indirect_vreg.gather [hbm4b:s5+s3], $0x80, v3, vm0, $0xb8;
	[tilespmem:$0x10080] =	vst v63  }
0x47: {  	v3 =	vld [tilespmem:$0x30];
	_ =	sdelay $0x4  }
0x48: {  	v51 =	vshll.u32 v3, $0x2  }
0x49: {  	v3 =	vand.u32 $0x7, v3;
	v4 =	vand.u32 $0xFFFFFFE0, v51  }
0x4a: {  	v3 =	vor.u32 v3, v4  }
0x4b: {  	v4 =	vperm.xlane v3, v0;
	_ =	sdelay $0x1  }
0x4c: {  	v4 =	vadd.s32 v1, v4;
	_ =	sdelay $0x1  }
0x4d: {  	v3 =	vperm.xlane v3, v2;
	_ =	sdelay $0x1  }
0x4e: {  	s19 =	simm.s32 $0x6080;
	v3 =	vadd.s32 v1, v3  }
0x4f: {  	[tilespmem:s19], [sflag:$0x1] =	stream.indirect_vreg.gather [hbm4b:s1+s3], $0x80, v4, vm0, $0xb8;
	[tilespmem:$0x10080] =	vst v63  }
0x50: {  	_ = 	snop  }
0x51: {  	[tilespmem:s2], [sflag:$0x1] =	stream.indirect_vreg.gather [hbm4b:s5+s3], $0x80, v4, vm0, $0xb8;
	[tilespmem:$0x10080] =	vst v63  }
0x52: {  	_ = 	snop  }
0x53: {  	[tilespmem:s10], [sflag:$0x1] =	stream.indirect_vreg.gather [hbm4b:s1+s3], $0x80, v3, vm0, $0xb8;
	[tilespmem:$0x10080] =	vst v63  }
0x54: {  	_ = 	snop  }
0x55: {  	[tilespmem:s11], [sflag:$0x1] =	stream.indirect_vreg.gather [hbm4b:s5+s3], $0x80, v3, vm0, $0xb8;
	[tilespmem:$0x10080] =	vst v63  }
0x56: {  	v3 =	vld [tilespmem:$0x40];
	_ =	sdelay $0x4  }
0x57: {  	v52 =	vshll.u32 v3, $0x2  }
0x58: {  	v3 =	vand.u32 $0x7, v3;
	v4 =	vand.u32 $0xFFFFFFE0, v52  }
0x59: {  	v3 =	vor.u32 v3, v4  }
0x5a: {  	v4 =	vperm.xlane v3, v0;
	_ =	sdelay $0x1  }
0x5b: {  	v4 =	vadd.s32 v1, v4;
	_ =	sdelay $0x1  }
0x5c: {  	v3 =	vperm.xlane v3, v2;
	_ =	sdelay $0x1  }
0x5d: {  	v3 =	vadd.s32 v1, v3  }
0x5e: {  	[tilespmem:s12], [sflag:$0x1] =	stream.indirect_vreg.gather [hbm4b:s1+s3], $0x80, v4, vm0, $0xb8;
	[tilespmem:$0x10080] =	vst v63  }
0x5f: {  	_ = 	snop  }
0x60: {  	[tilespmem:s13], [sflag:$0x1] =	stream.indirect_vreg.gather [hbm4b:s5+s3], $0x80, v4, vm0, $0xb8;
	[tilespmem:$0x10080] =	vst v63  }
0x61: {  	_ = 	snop  }
0x62: {  	[tilespmem:s14], [sflag:$0x1] =	stream.indirect_vreg.gather [hbm4b:s1+s3], $0x80, v3, vm0, $0xb8;
	[tilespmem:$0x10080] =	vst v63  }
0x63: {  	_ = 	snop  }
0x64: {  	[tilespmem:s15], [sflag:$0x1] =	stream.indirect_vreg.gather [hbm4b:s5+s3], $0x80, v3, vm0, $0xb8;
	[tilespmem:$0x10080] =	vst v63  }
0x65: {  	v3 =	vld [tilespmem:$0x50];
	_ =	sdelay $0x4  }
0x66: {  	v53 =	vshll.u32 v3, $0x2  }
0x67: {  	v3 =	vand.u32 $0x7, v3;
	v4 =	vand.u32 $0xFFFFFFE0, v53  }
0x68: {  	v3 =	vor.u32 v3, v4  }
0x69: {  	v4 =	vperm.xlane v3, v0;
	_ =	sdelay $0x1  }
0x6a: {  	v4 =	vadd.s32 v1, v4;
	_ =	sdelay $0x1  }
0x6b: {  	v3 =	vperm.xlane v3, v2;
	_ =	sdelay $0x1  }
0x6c: {  	v3 =	vadd.s32 v1, v3  }
0x6d: {  	[tilespmem:s16], [sflag:$0x1] =	stream.indirect_vreg.gather [hbm4b:s1+s3], $0x80, v4, vm0, $0xb8;
	[tilespmem:$0x10080] =	vst v63  }
0x6e: {  	_ = 	snop  }
0x6f: {  	[tilespmem:s17], [sflag:$0x1] =	stream.indirect_vreg.gather [hbm4b:s5+s3], $0x80, v4, vm0, $0xb8;
	[tilespmem:$0x10080] =	vst v63  }
0x70: {  	_ = 	snop  }
0x71: {  	[tilespmem:s9], [sflag:$0x1] =	stream.indirect_vreg.gather [hbm4b:s1+s3], $0x80, v3, vm0, $0xb8;
	[tilespmem:$0x10080] =	vst v63  }
0x72: {  	s19 =	simm.s32 $0xB880  }
0x73: {  	[tilespmem:s19], [sflag:$0x1] =	stream.indirect_vreg.gather [hbm4b:s5+s3], $0x80, v3, vm0, $0xb8;
	[tilespmem:$0x10080] =	vst v63  }
0x74: {  	v3 =	vld [tilespmem:$0x60];
	_ =	sdelay $0x4  }
0x75: {  	v54 =	vshll.u32 v3, $0x2  }
0x76: {  	v3 =	vand.u32 $0x7, v3;
	v4 =	vand.u32 $0xFFFFFFE0, v54  }
0x77: {  	v3 =	vor.u32 v3, v4  }
0x78: {  	v4 =	vperm.xlane v3, v0;
	_ =	sdelay $0x1  }
0x79: {  	v4 =	vadd.s32 v1, v4;
	_ =	sdelay $0x1  }
0x7a: {  	v3 =	vperm.xlane v3, v2;
	_ =	sdelay $0x1  }
0x7b: {  	s19 =	simm.s32 $0xC080;
	v3 =	vadd.s32 v1, v3  }
0x7c: {  	[tilespmem:s19], [sflag:$0x1] =	stream.indirect_vreg.gather [hbm4b:s1+s3], $0x80, v4, vm0, $0xb8;
	[tilespmem:$0x10080] =	vst v63  }
0x7d: {  	s19 =	simm.s32 $0xC880  }
0x7e: {  	[tilespmem:s19], [sflag:$0x1] =	stream.indirect_vreg.gather [hbm4b:s5+s3], $0x80, v4, vm0, $0xb8;
	[tilespmem:$0x10080] =	vst v63  }
0x7f: {  	s19 =	simm.s32 $0xD080  }
0x80: {  	[tilespmem:s19], [sflag:$0x1] =	stream.indirect_vreg.gather [hbm4b:s1+s3], $0x80, v3, vm0, $0xb8;
	[tilespmem:$0x10080] =	vst v63  }
0x81: {  	s19 =	simm.s32 $0xD880  }
0x82: {  	[tilespmem:s19], [sflag:$0x1] =	stream.indirect_vreg.gather [hbm4b:s5+s3], $0x80, v3, vm0, $0xb8;
	[tilespmem:$0x10080] =	vst v63  }
0x83: {  	v3 =	vld [tilespmem:$0x70];
	_ =	sdelay $0x4  }
0x84: {  	v55 =	vshll.u32 v3, $0x2  }
0x85: {  	v3 =	vand.u32 $0x7, v3;
	v4 =	vand.u32 $0xFFFFFFE0, v55  }
0x86: {  	v3 =	vor.u32 v3, v4  }
0x87: {  	v4 =	vperm.xlane v3, v0;
	_ =	sdelay $0x1  }
0x88: {  	v4 =	vadd.s32 v1, v4;
	_ =	sdelay $0x1  }
0x89: {  	v3 =	vperm.xlane v3, v2;
	_ =	sdelay $0x1  }
0x8a: {  	s19 =	simm.s32 $0xE080;
	v3 =	vadd.s32 v1, v3  }
0x8b: {  	[tilespmem:s19], [sflag:$0x1] =	stream.indirect_vreg.gather [hbm4b:s1+s3], $0x80, v4, vm0, $0xb8;
	[tilespmem:$0x10080] =	vst v63  }
0x8c: {  	s19 =	simm.s32 $0xE880  }
0x8d: {  	[tilespmem:s19], [sflag:$0x1] =	stream.indirect_vreg.gather [hbm4b:s5+s3], $0x80, v4, vm0, $0xb8;
	[tilespmem:$0x10080] =	vst v63  }
0x8e: {  	s19 =	simm.s32 $0xF080  }
0x8f: {  	[tilespmem:s19], [sflag:$0x1] =	stream.indirect_vreg.gather [hbm4b:s1+s3], $0x80, v3, vm0, $0xb8;
	[tilespmem:$0x10080] =	vst v63  }
0x90: {  	s19 =	simm.s32 $0xF880  }
0x91: {  	[tilespmem:s19], [sflag:$0x1] =	stream.indirect_vreg.gather [hbm4b:s5+s3], $0x80, v3, vm0, $0xb8;
	[tilespmem:$0x10080] =	vst v63  }
0x92: {  	_ =	swait.ge [sflag:s18], $0x10000  }
0x93: {  	[sflag:s18] =	ssyncset.done $0x0  }
0x94: {  	s0 =	simm.s32 $0x80;
	s19 =	rddreg [dreg:$0x5];
	[sflag:s18] =	ssyncadd.s32 $0xFFFF0000  }
0x95: {  	[hbm4b:s19+s3] =	stream.linear.scatter [tilespmem:s0], [sflag:$0x2], $0x10000, $0x38;
	[tilespmem:$0x10080] =	vst v63  }
0x96: {  	_ =	swait.ge [sflag:s8], $0x10000  }
0x97: {  	[sflag:s8] =	ssyncset.done $0x0  }
0x98: {  	s19 =	rddreg [dreg:$0x6];
	[sflag:s8] =	ssyncadd.s32 $0xFFFF0000  }
0x99: {  	[tilespmem:s3], [sflag:$0x2] =	stream.linear.gather [hbm4b:s19+s3], $0x80, $0x38;
	[tilespmem:$0x10080] =	vst v63  }
0x9a: {  	_ =	swait.ge [sflag:s8], $0x80  }
0x9b: {  	[sflag:s8] =	ssyncset.done $0x0  }
0x9c: {  	[sflag:s8] =	ssyncadd.s32 $0xFFFFFF80  }
0x9d: {  	v3 =	vld [tilespmem:$0x0];
	_ =	sdelay $0x4  }
0x9e: {  	v56 =	vshll.u32 v3, $0x2  }
0x9f: {  	v3 =	vand.u32 $0x7, v3;
	v4 =	vand.u32 $0xFFFFFFE0, v56  }
0xa0: {  	v3 =	vor.u32 v3, v4  }
0xa1: {  	v4 =	vperm.xlane v3, v0;
	_ =	sdelay $0x1  }
0xa2: {  	v4 =	vadd.s32 v1, v4;
	_ =	sdelay $0x1  }
0xa3: {  	v3 =	vperm.xlane v3, v2;
	_ =	sdelay $0x1  }
0xa4: {  	v3 =	vadd.s32 v1, v3  }
0xa5: {  	[tilespmem:s0], [sflag:$0x1] =	stream.indirect_vreg.gather [hbm4b:s4+s3], $0x80, v4, vm0, $0xb8;
	[tilespmem:$0x10080] =	vst v63  }
0xa6: {  	_ = 	snop  }
0xa7: {  	[tilespmem:s20], [sflag:$0x1] =	stream.indirect_vreg.gather [hbm4b:s6+s3], $0x80, v4, vm0, $0xb8;
	[tilespmem:$0x10080] =	vst v63  }
0xa8: {  	_ = 	snop  }
0xa9: {  	[tilespmem:s21], [sflag:$0x1] =	stream.indirect_vreg.gather [hbm4b:s4+s3], $0x80, v3, vm0, $0xb8;
	[tilespmem:$0x10080] =	vst v63  }
0xaa: {  	_ = 	snop  }
0xab: {  	[tilespmem:s22], [sflag:$0x1] =	stream.indirect_vreg.gather [hbm4b:s6+s3], $0x80, v3, vm0, $0xb8;
	[tilespmem:$0x10080] =	vst v63  }
0xac: {  	v3 =	vld [tilespmem:$0x10];
	_ =	sdelay $0x4  }
0xad: {  	v57 =	vshll.u32 v3, $0x2  }
0xae: {  	v3 =	vand.u32 $0x7, v3;
	v4 =	vand.u32 $0xFFFFFFE0, v57  }
0xaf: {  	v3 =	vor.u32 v3, v4  }
0xb0: {  	v4 =	vperm.xlane v3, v0;
	_ =	sdelay $0x1  }
0xb1: {  	v4 =	vadd.s32 v1, v4;
	_ =	sdelay $0x1  }
0xb2: {  	v3 =	vperm.xlane v3, v2;
	_ =	sdelay $0x1  }
0xb3: {  	v3 =	vadd.s32 v1, v3  }
0xb4: {  	[tilespmem:s23], [sflag:$0x1] =	stream.indirect_vreg.gather [hbm4b:s4+s3], $0x80, v4, vm0, $0xb8;
	[tilespmem:$0x10080] =	vst v63  }
0xb5: {  	_ = 	snop  }
0xb6: {  	[tilespmem:s24], [sflag:$0x1] =	stream.indirect_vreg.gather [hbm4b:s6+s3], $0x80, v4, vm0, $0xb8;
	[tilespmem:$0x10080] =	vst v63  }
0xb7: {  	_ = 	snop  }
0xb8: {  	[tilespmem:s25], [sflag:$0x1] =	stream.indirect_vreg.gather [hbm4b:s4+s3], $0x80, v3, vm0, $0xb8;
	[tilespmem:$0x10080] =	vst v63  }
0xb9: {  	_ = 	snop  }
0xba: {  	[tilespmem:s26], [sflag:$0x1] =	stream.indirect_vreg.gather [hbm4b:s6+s3], $0x80, v3, vm0, $0xb8;
	[tilespmem:$0x10080] =	vst v63  }
0xbb: {  	v3 =	vld [tilespmem:$0x20];
	_ =	sdelay $0x4  }
0xbc: {  	v58 =	vshll.u32 v3, $0x2  }
0xbd: {  	v3 =	vand.u32 $0x7, v3;
	v4 =	vand.u32 $0xFFFFFFE0, v58  }
0xbe: {  	v3 =	vor.u32 v3, v4  }
0xbf: {  	v4 =	vperm.xlane v3, v0;
	_ =	sdelay $0x1  }
0xc0: {  	v4 =	vadd.s32 v1, v4;
	_ =	sdelay $0x1  }
0xc1: {  	v3 =	vperm.xlane v3, v2;
	_ =	sdelay $0x1  }
0xc2: {  	v3 =	vadd.s32 v1, v3  }
0xc3: {  	[tilespmem:s28], [sflag:$0x1] =	stream.indirect_vreg.gather [hbm4b:s4+s3], $0x80, v4, vm0, $0xb8;
	[tilespmem:$0x10080] =	vst v63  }
0xc4: {  	_ = 	snop  }
0xc5: {  	[tilespmem:s29], [sflag:$0x1] =	stream.indirect_vreg.gather [hbm4b:s6+s3], $0x80, v4, vm0, $0xb8;
	[tilespmem:$0x10080] =	vst v63  }
0xc6: {  	_ = 	snop  }
0xc7: {  	[tilespmem:s30], [sflag:$0x1] =	stream.indirect_vreg.gather [hbm4b:s4+s3], $0x80, v3, vm0, $0xb8;
	[tilespmem:$0x10080] =	vst v63  }
0xc8: {  	_ = 	snop  }
0xc9: {  	[tilespmem:s31], [sflag:$0x1] =	stream.indirect_vreg.gather [hbm4b:s6+s3], $0x80, v3, vm0, $0xb8;
	[tilespmem:$0x10080] =	vst v63  }
0xca: {  	v3 =	vld [tilespmem:$0x30];
	_ =	sdelay $0x4  }
0xcb: {  	v59 =	vshll.u32 v3, $0x2  }
0xcc: {  	v3 =	vand.u32 $0x7, v3;
	v4 =	vand.u32 $0xFFFFFFE0, v59  }
0xcd: {  	v3 =	vor.u32 v3, v4  }
0xce: {  	v4 =	vperm.xlane v3, v0;
	_ =	sdelay $0x1  }
0xcf: {  	v4 =	vadd.s32 v1, v4;
	_ =	sdelay $0x1  }
0xd0: {  	v3 =	vperm.xlane v3, v2;
	_ =	sdelay $0x1  }
0xd1: {  	s19 =	simm.s32 $0x6080;
	v3 =	vadd.s32 v1, v3  }
0xd2: {  	[tilespmem:s19], [sflag:$0x1] =	stream.indirect_vreg.gather [hbm4b:s4+s3], $0x80, v4, vm0, $0xb8;
	[tilespmem:$0x10080] =	vst v63  }
0xd3: {  	_ = 	snop  }
0xd4: {  	[tilespmem:s2], [sflag:$0x1] =	stream.indirect_vreg.gather [hbm4b:s6+s3], $0x80, v4, vm0, $0xb8;
	[tilespmem:$0x10080] =	vst v63  }
0xd5: {  	_ = 	snop  }
0xd6: {  	[tilespmem:s10], [sflag:$0x1] =	stream.indirect_vreg.gather [hbm4b:s4+s3], $0x80, v3, vm0, $0xb8;
	[tilespmem:$0x10080] =	vst v63  }
0xd7: {  	_ = 	snop  }
0xd8: {  	[tilespmem:s11], [sflag:$0x1] =	stream.indirect_vreg.gather [hbm4b:s6+s3], $0x80, v3, vm0, $0xb8;
	[tilespmem:$0x10080] =	vst v63  }
0xd9: {  	v3 =	vld [tilespmem:$0x40];
	_ =	sdelay $0x4  }
0xda: {  	v60 =	vshll.u32 v3, $0x2  }
0xdb: {  	v3 =	vand.u32 $0x7, v3;
	v4 =	vand.u32 $0xFFFFFFE0, v60  }
0xdc: {  	v3 =	vor.u32 v3, v4  }
0xdd: {  	v4 =	vperm.xlane v3, v0;
	_ =	sdelay $0x1  }
0xde: {  	v4 =	vadd.s32 v1, v4;
	_ =	sdelay $0x1  }
0xdf: {  	v3 =	vperm.xlane v3, v2;
	_ =	sdelay $0x1  }
0xe0: {  	v3 =	vadd.s32 v1, v3  }
0xe1: {  	[tilespmem:s12], [sflag:$0x1] =	stream.indirect_vreg.gather [hbm4b:s4+s3], $0x80, v4, vm0, $0xb8;
	[tilespmem:$0x10080] =	vst v63  }
0xe2: {  	_ = 	snop  }
0xe3: {  	[tilespmem:s13], [sflag:$0x1] =	stream.indirect_vreg.gather [hbm4b:s6+s3], $0x80, v4, vm0, $0xb8;
	[tilespmem:$0x10080] =	vst v63  }
0xe4: {  	_ = 	snop  }
0xe5: {  	[tilespmem:s14], [sflag:$0x1] =	stream.indirect_vreg.gather [hbm4b:s4+s3], $0x80, v3, vm0, $0xb8;
	[tilespmem:$0x10080] =	vst v63  }
0xe6: {  	_ = 	snop  }
0xe7: {  	[tilespmem:s15], [sflag:$0x1] =	stream.indirect_vreg.gather [hbm4b:s6+s3], $0x80, v3, vm0, $0xb8;
	[tilespmem:$0x10080] =	vst v63  }
0xe8: {  	v3 =	vld [tilespmem:$0x50];
	_ =	sdelay $0x4  }
0xe9: {  	v61 =	vshll.u32 v3, $0x2  }
0xea: {  	v3 =	vand.u32 $0x7, v3;
	v4 =	vand.u32 $0xFFFFFFE0, v61  }
0xeb: {  	v3 =	vor.u32 v3, v4  }
0xec: {  	v4 =	vperm.xlane v3, v0;
	_ =	sdelay $0x1  }
0xed: {  	v4 =	vadd.s32 v1, v4;
	_ =	sdelay $0x1  }
0xee: {  	v3 =	vperm.xlane v3, v2;
	_ =	sdelay $0x1  }
0xef: {  	v3 =	vadd.s32 v1, v3  }
0xf0: {  	[tilespmem:s16], [sflag:$0x1] =	stream.indirect_vreg.gather [hbm4b:s4+s3], $0x80, v4, vm0, $0xb8;
	[tilespmem:$0x10080] =	vst v63  }
0xf1: {  	_ = 	snop  }
0xf2: {  	[tilespmem:s17], [sflag:$0x1] =	stream.indirect_vreg.gather [hbm4b:s6+s3], $0x80, v4, vm0, $0xb8;
	[tilespmem:$0x10080] =	vst v63  }
0xf3: {  	_ = 	snop  }
0xf4: {  	[tilespmem:s9], [sflag:$0x1] =	stream.indirect_vreg.gather [hbm4b:s4+s3], $0x80, v3, vm0, $0xb8;
	[tilespmem:$0x10080] =	vst v63  }
0xf5: {  	s19 =	simm.s32 $0xB880  }
0xf6: {  	[tilespmem:s19], [sflag:$0x1] =	stream.indirect_vreg.gather [hbm4b:s6+s3], $0x80, v3, vm0, $0xb8;
	[tilespmem:$0x10080] =	vst v63  }
0xf7: {  	v3 =	vld [tilespmem:$0x60];
	_ =	sdelay $0x4  }
0xf8: {  	v62 =	vshll.u32 v3, $0x2  }
0xf9: {  	v3 =	vand.u32 $0x7, v3;
	v4 =	vand.u32 $0xFFFFFFE0, v62  }
0xfa: {  	v3 =	vor.u32 v3, v4  }
0xfb: {  	v4 =	vperm.xlane v3, v0;
	_ =	sdelay $0x1  }
0xfc: {  	v4 =	vadd.s32 v1, v4;
	_ =	sdelay $0x1  }
0xfd: {  	v3 =	vperm.xlane v3, v2;
	_ =	sdelay $0x1  }
0xfe: {  	s19 =	simm.s32 $0xC080;
	v3 =	vadd.s32 v1, v3  }
0xff: {  	[tilespmem:s19], [sflag:$0x1] =	stream.indirect_vreg.gather [hbm4b:s4+s3], $0x80, v4, vm0, $0xb8;
	[tilespmem:$0x10080] =	vst v63  }
0x100: {  	s19 =	simm.s32 $0xC880  }
0x101: {  	[tilespmem:s19], [sflag:$0x1] =	stream.indirect_vreg.gather [hbm4b:s6+s3], $0x80, v4, vm0, $0xb8;
	[tilespmem:$0x10080] =	vst v63  }
0x102: {  	s19 =	simm.s32 $0xD080  }
0x103: {  	[tilespmem:s19], [sflag:$0x1] =	stream.indirect_vreg.gather [hbm4b:s4+s3], $0x80, v3, vm0, $0xb8;
	[tilespmem:$0x10080] =	vst v63  }
0x104: {  	s19 =	simm.s32 $0xD880  }
0x105: {  	[tilespmem:s19], [sflag:$0x1] =	stream.indirect_vreg.gather [hbm4b:s6+s3], $0x80, v3, vm0, $0xb8;
	[tilespmem:$0x10080] =	vst v63  }
0x106: {  	v3 =	vld [tilespmem:$0x70];
	_ =	sdelay $0x4  }
0x107: {  	v63 =	vshll.u32 v3, $0x2  }
0x108: {  	v3 =	vand.u32 $0x7, v3;
	v4 =	vand.u32 $0xFFFFFFE0, v63  }
0x109: {  	v3 =	vor.u32 v3, v4  }
0x10a: {  	v4 =	vperm.xlane v3, v0;
	_ =	sdelay $0x1  }
0x10b: {  	v4 =	vadd.s32 v1, v4;
	_ =	sdelay $0x1  }
0x10c: {  	v3 =	vperm.xlane v3, v2;
	_ =	sdelay $0x1  }
0x10d: {  	s19 =	simm.s32 $0xE080;
	v3 =	vadd.s32 v1, v3  }
0x10e: {  	[tilespmem:s19], [sflag:$0x1] =	stream.indirect_vreg.gather [hbm4b:s4+s3], $0x80, v4, vm0, $0xb8;
	[tilespmem:$0x10080] =	vst v63  }
0x10f: {  	s19 =	simm.s32 $0xE880  }
0x110: {  	[tilespmem:s19], [sflag:$0x1] =	stream.indirect_vreg.gather [hbm4b:s6+s3], $0x80, v4, vm0, $0xb8;
	[tilespmem:$0x10080] =	vst v63  }
0x111: {  	s19 =	simm.s32 $0xF080  }
0x112: {  	[tilespmem:s19], [sflag:$0x1] =	stream.indirect_vreg.gather [hbm4b:s4+s3], $0x80, v3, vm0, $0xb8;
	[tilespmem:$0x10080] =	vst v63  }
0x113: {  	s19 =	simm.s32 $0xF880  }
0x114: {  	[tilespmem:s19], [sflag:$0x1] =	stream.indirect_vreg.gather [hbm4b:s6+s3], $0x80, v3, vm0, $0xb8;
	[tilespmem:$0x10080] =	vst v63  }
0x115: {  	_ =	swait.ge [sflag:s18], $0x10000  }
0x116: {  	p0 =	sne.s32 s7, $0x1;
	s0 =	simm.s32 $0x80;
	[sflag:s18] =	ssyncset.done $0x0  }
.Ltmp0:
0x117: {  	s19 =	rddreg [dreg:$0x7];
	[sflag:s18] =	ssyncadd.s32 $0xFFFF0000;
	(pc) =	sbr.rel @p0 .LBB2_1-.Ltmp0, $4  }
0x118: {  	[hbm4b:s19+s3] =	stream.linear.scatter [tilespmem:s0], [sflag:$0x2], $0x10000, $0x38;
	[tilespmem:$0x10080] =	vst v63  }
0x119: {  	_ =	swait.ge [sflag:s8], $0x10000  }
0x11a: {  	[sflag:s8] =	ssyncset.done $0x0  }
0x11b: {  	s7 =	sadd.s32 $0xFFFFFFFF, s7;
	[sflag:s8] =	ssyncadd.s32 $0xFFFF0000  }
0x11c: {  	_ =	sfence.sel $0x180000  }
0x11d: {  	[bflag:$0x0] =	sbarrier.arrive $0xFFFF  }
0x11e: {  	_ =	strace $0x90000047  }
0x11f: {  	s0 =	stileid.u32;
	[bflag:$0x2] =	sbarrier.arrive $0xFFFF  }
0x120: {  	p0 =	sne.s32 s0, $0x0;
	s0 =	rddreg [dreg:$0x3]  }
0x121: {  	s0 =	sadd.s32 @!p0 $0x100000, s0  }
0x122: {  	[sflag:s0] =	ssyncadd.tile.s32 @!p0 $0x1;
	_ =	shalt  }
.Lfunc_end2:
_tile_overlayer_lowered:
.L_overlay_start_2:
0x123: {  	(tag) =	ssettag $0x2  }
0x124: {  	s0 =	rddreg [dreg:$0x0];
	s2 =	stileid.u32  }
0x125: {  	s1 =	rddreg [dreg:$0x1];
	p0 =	sne.s32 s2, $0x0  }
0x126: {  	s3 =	rddreg [dreg:$0x2];
	[bflag:$0x3] =	sbarrier.arrive $0xFFFF;
	s2 =	simm.s32 @!p0 $0x1C02  }
0x127: {  	[timem:s3], [sflag:s2] =	dma.local @!p0 [hbm:s0], s1  }
0x128: {  	s0 =	simm.s32 @!p0 $0x2  }
0x129: {  	_ =	swait.ge @!p0 [sflag:s0], s1  }
0x12a: {  	s1 =	ssub.s32 @!p0 $0x0, s1;
	[sflag:s0] =	ssyncset.done @!p0 $0x0  }
0x12b: {  	[sflag:s0] =	ssyncadd.s32 @!p0 s1  }
0x12c: {  	[bflag:$0x3] =	sbarrier.arrive $0xFFFF  }
0x12d: {  	_ =	shalt  }

</sc_bundles>
